<compile_context>
chip_gen: v7x
topology: tpu7x:2x2x1
jax: 0.10.2.dev20260603
libtpu: 0.0.44.dev20260713+nightly
codegen_flags: <defaults>
</compile_context>

<pallas_src>
import functools

import jax
import jax.numpy as jnp
from jax import lax
from jax.experimental import pallas as pl
from jax.experimental.pallas import tpu as pltpu
from jax.experimental.pallas import tpu_sc as plsc

N_NODES = 10000
N_EDGES = 320000
D = 128

NC = 2
NS = 16
NW = NC * NS

K = 80
EP = N_EDGES // NW
CH = EP // K
KO = 1000
RCH = N_NODES // KO

NBUF = 3
LA = 2


def _sc_segment_sum(ei, nfeats, zrows):
  mesh = plsc.VectorSubcoreMesh(core_axis_name="c", subcore_axis_name="s")

  @functools.partial(
      pl.kernel,
      mesh=mesh,
      out_type=jax.ShapeDtypeStruct((NC, N_NODES, D), jnp.float32),
      scratch_types=[
          pltpu.VMEM((NBUF, 2, K), jnp.int32),
          pltpu.VMEM((NBUF, K, D), jnp.float32),
          pltpu.VMEM_SHARED((N_NODES, D), jnp.float32),
          pltpu.SemaphoreType.DMA((NBUF,)),
          pltpu.SemaphoreType.DMA((NBUF,)),
          pltpu.SemaphoreType.DMA((NBUF,)),
          pltpu.SemaphoreType.DMA,
      ],
  )
  def k(ei_hbm, nf_hbm, z_hbm, out_hbm, idx_v, bufs, acc, isem, gsem, ssem,
        zsem):
    c = lax.axis_index("c")
    s = lax.axis_index("s")
    wid = s * NC + c

    nz = (RCH - s + NS - 1) // NS

    def zissue(i, _):
      t = s + i * NS
      pltpu.async_copy(z_hbm, acc.at[pl.ds(t * KO, KO)], zsem)
      return 0

    def zwait(i, _):
      pltpu.make_async_copy(z_hbm, acc.at[pl.ds(s * KO, KO)], zsem).wait()
      return 0

    lax.fori_loop(0, nz, zissue, 0)
    lax.fori_loop(0, nz, zwait, 0)
    plsc.subcore_barrier()

    def issue_idx(j, b):
      pltpu.async_copy(ei_hbm.at[wid].at[j], idx_v.at[b], isem.at[b])

    def wait_idx(j, b):
      pltpu.make_async_copy(ei_hbm.at[wid].at[j], idx_v.at[b],
                            isem.at[b]).wait()

    def issue_gather(j, b):
      pltpu.async_copy(nf_hbm.at[idx_v.at[b].at[0]], bufs.at[b], gsem.at[b])

    def wait_gather(j, b):
      pltpu.make_async_copy(nf_hbm.at[idx_v.at[b].at[0]], bufs.at[b],
                            gsem.at[b]).wait()

    def issue_scatter(j, b):
      pltpu.async_copy(bufs.at[b], acc.at[idx_v.at[b].at[1]], ssem.at[b],
                       add=True)

    def wait_scatter(j, b):
      pltpu.make_async_copy(bufs.at[b], acc.at[idx_v.at[b].at[1]],
                            ssem.at[b]).wait()

    for j in range(LA):
      issue_idx(j, j % NBUF)
    for j in range(LA):
      wait_idx(j, j % NBUF)
      issue_gather(j, j % NBUF)
    for j in range(NBUF - LA):
      bl = (j + LA) % NBUF
      issue_idx(j + LA, bl)
      wait_gather(j, j % NBUF)
      issue_scatter(j, j % NBUF)
      wait_idx(j + LA, bl)
      issue_gather(j + LA, bl)

    def step(j, bl, b):
      wait_scatter(j + LA - NBUF, bl)
      issue_idx(j + LA, bl)
      wait_gather(j, b)
      issue_scatter(j, b)
      wait_idx(j + LA, bl)
      issue_gather(j + LA, bl)

    n_steady = (CH - NBUF) // NBUF
    rem = (CH - NBUF) % NBUF

    def body(g, _):
      for bi in range(NBUF):
        j = (NBUF - LA) + g * NBUF + bi
        step(j, (j + LA) % NBUF, j % NBUF)
      return 0

    lax.fori_loop(0, n_steady, body, 0)
    for bi in range(rem):
      j = (NBUF - LA) + n_steady * NBUF + bi
      step(j, (j + LA) % NBUF, j % NBUF)

    for j in range(CH - LA, CH):
      wait_scatter(j + LA - NBUF, (j + LA) % NBUF)
      wait_gather(j, j % NBUF)
      issue_scatter(j, j % NBUF)
    for j in range(CH - NBUF + LA, CH):
      wait_scatter(j, j % NBUF)

    plsc.subcore_barrier()

    def oissue(i, _):
      t = s + i * NS
      pltpu.async_copy(acc.at[pl.ds(t * KO, KO)],
                       out_hbm.at[c].at[pl.ds(t * KO, KO)], zsem)
      return 0

    def owait(i, _):
      pltpu.make_async_copy(acc.at[pl.ds(s * KO, KO)],
                            out_hbm.at[c].at[pl.ds(s * KO, KO)], zsem).wait()
      return 0

    lax.fori_loop(0, nz, oissue, 0)
    lax.fori_loop(0, nz, owait, 0)

  return k(ei, nfeats, zrows)


def _tc_finish(acc, nfeats, wt, b2, scale):
  BR = 1000
  grid = N_NODES // BR

  def body(scale_ref, acc_ref, x_ref, wt_ref, b_ref, o_ref):
    h = x_ref[...] * (1.0 + scale_ref[0]) + acc_ref[0] + acc_ref[1]
    o_ref[...] = lax.dot_general(
        h, wt_ref[...], (((1,), (1,)), ((), ())),
        preferred_element_type=jnp.float32) + b_ref[...]

  return pl.pallas_call(
      body,
      grid=(grid,),
      in_specs=[
          pl.BlockSpec(memory_space=pltpu.SMEM),
          pl.BlockSpec((NC, BR, D), lambda i: (0, i, 0)),
          pl.BlockSpec((BR, D), lambda i: (i, 0)),
          pl.BlockSpec((D, D), lambda i: (0, 0)),
          pl.BlockSpec((1, D), lambda i: (0, 0)),
      ],
      out_specs=pl.BlockSpec((BR, D), lambda i: (i, 0)),
      out_shape=jax.ShapeDtypeStruct((N_NODES, D), jnp.float32),
  )(scale, acc, nfeats, wt, b2)


@jax.jit
def kernel(nfeats, edge_index, W, b, alpha):
  ei = edge_index.astype(jnp.int32)
  idx_g = jnp.stack(
      [ei[0].reshape(NW, CH, K), ei[1].reshape(NW, CH, K)], axis=2)
  zrows = jnp.zeros((KO, D), jnp.float32)
  acc = _sc_segment_sum(idx_g, nfeats, zrows)
  return _tc_finish(acc, nfeats, W, b.reshape(1, D), alpha)

# --- scband reference (transcript-rebuilt; emitter-appended) ---
"""Pipeline reference for scband-hgin-25786983645584 (READ-ONLY COPY).

The authoritative reference and input builder live on the scoring server;
editing this copy changes nothing except your own understanding.
"""

import jax, jax.numpy as jnp
import numpy as np

N_NODES = 10000
N_EDGES = 320000
D_FEAT = 128
D_OUT = 128


def setup_inputs(seed: int = 0) -> dict:
    key = jax.random.key(seed)
    k1, k2, k3, k4 = jax.random.split(key, 4)
    x = jax.random.normal(k1, (N_NODES, D_FEAT), dtype=jnp.float32)
    edge_index = jax.random.randint(k2, (2, N_EDGES), 0, N_NODES, dtype=jnp.int64)
    # Learned parameters: MLP with mlp_layer=1 -> single Linear(input_dim, output_dim)
    bound = 1.0 / np.sqrt(D_FEAT)
    W = jax.random.uniform(k3, (D_OUT, D_FEAT), minval=-bound, maxval=bound, dtype=jnp.float32)
    b = jax.random.uniform(k4, (D_OUT,), minval=-bound, maxval=bound, dtype=jnp.float32)
    # alpha parameter (init_alpha=0, learn_alpha=False -> non-trainable)
    alpha = jnp.zeros((1,), dtype=jnp.float32)
    return {"nfeats": x, "edge_index": edge_index, "W": W, "b": b, "alpha": alpha}


def reference(nfeats, edge_index, W, b, alpha):
    # homo=False: message is simply the source node feature m = edges.src['h'];
    # update_all with fn.sum('m','inneigh') is a scatter-add (segment_sum) over dst.
    src = edge_index[0]
    dst = edge_index[1]
    m = jnp.take(nfeats, src, axis=0)                 # gather [E, d]
    inneigh = jax.ops.segment_sum(m, dst, num_segments=nfeats.shape[0])  # scatter-add [N, d]
    h = (1.0 + alpha[0]) * nfeats + inneigh
    # MLP (num_layers=1): single linear output; norm=None, res=False, act=None, dropout=0 (identity in eval)
    h = h @ W.T + b
    return h

if __name__ == "__main__":
    import jax
    _d = setup_inputs()
    print(jax.jit(kernel)(*tuple(_d.values())))

</pallas_src>

<mosaic_0001>
#map = affine_map<(d0, d1) -> (0, 0, 0, 0)>
#map1 = affine_map<(d0, d1) -> (0, 0)>
#map2 = affine_map<(d0, d1) -> (0, 0, 0)>
module attributes {stable_mosaic.version = 14 : i64} {
  func.func @k(%arg0: i32, %arg1: i32, %arg2: memref<32x125x2x80xi32, #tpu.memory_space<hbm>>, %arg3: memref<10000x128xf32, #tpu.memory_space<hbm>>, %arg4: memref<1000x128xf32, #tpu.memory_space<hbm>>, %arg5: memref<2x10000x128xf32, #tpu.memory_space<hbm>>, %arg6: memref<3x2x80xi32, #tpu.memory_space<vmem>>, %arg7: memref<3x80x128xf32, #tpu.memory_space<vmem>>, %arg8: memref<10000x128xf32, #tpu.memory_space<vmem_shared>>, %arg9: memref<3x!tpu.dma_semaphore, #tpu.memory_space<semaphore_mem>>, %arg10: memref<3x!tpu.dma_semaphore, #tpu.memory_space<semaphore_mem>>, %arg11: memref<3x!tpu.dma_semaphore, #tpu.memory_space<semaphore_mem>>, %arg12: memref<!tpu.dma_semaphore, #tpu.memory_space<semaphore_mem>>) attributes {dimension_semantics = [#tpu.dimension_semantics<core_parallel>, #tpu.dimension_semantics<subcore_parallel>], iteration_bounds = array<i64: 2, 16>, scalar_prefetch = 0 : i64, scratch_operands = 7 : i64, tpu.core_type = #tpu.core_type<sc_vector_subcore>, window_params = [{transform_indices = #map}, {transform_indices = #map1}, {transform_indices = #map1}, {transform_indices = #map2}]} {
    %mul3A = arith.constant 2 : i32
    %mul3A_0 = arith.muli %arg1, %mul3A : i32
    %add3A = arith.addi %mul3A_0, %arg0 : i32
    %sub3A = arith.constant 10 : i32
    %sub3A_1 = arith.subi %sub3A, %arg1 : i32
    %add3A_2 = arith.constant 16 : i32
    %add3A_3 = arith.addi %sub3A_1, %add3A_2 : i32
    %sub3A_4 = arith.constant 1 : i32
    %sub3A_5 = arith.subi %add3A_3, %sub3A_4 : i32
    %jit3A = arith.constant 16 : i32
    %div3A = arith.divsi %sub3A_5, %jit3A : i32
    %sign3A = arith.constant 0 : i32
    %sign3A_6 = arith.cmpi sgt, %sub3A_5, %sign3A : i32
    %sign3A_7 = arith.extui %sign3A_6 : i1 to i32
    %sign3A_8 = arith.constant 0 : i32
    %sign3A_9 = arith.cmpi slt, %sub3A_5, %sign3A_8 : i32
    %sign3A_10 = arith.extui %sign3A_9 : i1 to i32
    %sign3A_11 = arith.subi %sign3A_7, %sign3A_10 : i32
    %sign3A_12 = arith.constant 0 : i32
    %sign3A_13 = arith.cmpi sgt, %jit3A, %sign3A_12 : i32
    %sign3A_14 = arith.extui %sign3A_13 : i1 to i32
    %sign3A_15 = arith.constant 0 : i32
    %sign3A_16 = arith.cmpi slt, %jit3A, %sign3A_15 : i32
    %sign3A_17 = arith.extui %sign3A_16 : i1 to i32
    %sign3A_18 = arith.subi %sign3A_14, %sign3A_17 : i32
    %ne3A = arith.cmpi ne, %sign3A_11, %sign3A_18 : i32
    %rem3A = arith.remsi %sub3A_5, %jit3A : i32
    %ne3A_19 = arith.constant 0 : i32
    %ne3A_20 = arith.cmpi ne, %rem3A, %ne3A_19 : i32
    %and3A = arith.andi %ne3A, %ne3A_20 : i1
    %sub3A_21 = arith.constant 1 : i32
    %sub3A_22 = arith.subi %div3A, %sub3A_21 : i32
    %select_n3A = arith.select %and3A, %sub3A_22, %div3A : i32
    %while3A = arith.constant 0 : i32
    %while3A_23 = arith.constant 0 : i32
    %while3A_24 = arith.subi %select_n3A, %while3A : i32
    %while3A_25 = arith.addi %while3A, %while3A_24 : i32
    %while3A_26 = arith.constant 1 : i32
    %while3A_27 = arith.divsi %while3A_24, %while3A_26 : i32
    %while3A_28 = arith.muli %while3A_27, %while3A_26 : i32
    %while3A_29 = arith.addi %while3A, %while3A_28 : i32
    %while3A_30 = arith.constant 1 : i32
    %while3A_31 = scf.for %while3A_785 = %while3A to %while3A_29 step %while3A_30 iter_args(%while3A_786 = %while3A_23) -> (i32)  : i32 {
      %mul3A_787 = arith.constant 16 : i32
      %mul3A_788 = arith.muli %while3A_785, %mul3A_787 : i32
      %add3A_789 = arith.addi %arg1, %mul3A_788 : i32
      %mul3A_790 = arith.constant 1000 : i32
      %mul3A_791 = arith.muli %add3A_789, %mul3A_790 : i32
      %dma_start3A_792 = arith.constant 0 : i32
      %dma_start3A_793 = tpu.memref_slice %arg8[%mul3A_791, %dma_start3A_792] : memref<10000x128xf32, #tpu.memory_space<vmem_shared>> -> memref<1000x128xf32, #tpu.memory_space<vmem_shared>>
      tpu.enqueue_dma source(%arg4 : memref<1000x128xf32, #tpu.memory_space<hbm>>) target(%dma_start3A_793 : memref<1000x128xf32, #tpu.memory_space<vmem_shared>>) target_semaphore(%arg12 : memref<!tpu.dma_semaphore, #tpu.memory_space<semaphore_mem>>)
      %while3A_794 = arith.constant 0 : i32
      scf.yield %while3A_794 : i32
    }
    %while3A_32 = arith.constant 1 : i32
    %while3A_33 = scf.for %while3A_785 = %while3A_29 to %while3A_25 step %while3A_32 iter_args(%while3A_786 = %while3A_31) -> (i32)  : i32 {
      %mul3A_787 = arith.constant 16 : i32
      %mul3A_788 = arith.muli %while3A_785, %mul3A_787 : i32
      %add3A_789 = arith.addi %arg1, %mul3A_788 : i32
      %mul3A_790 = arith.constant 1000 : i32
      %mul3A_791 = arith.muli %add3A_789, %mul3A_790 : i32
      %dma_start3A_792 = arith.constant 0 : i32
      %dma_start3A_793 = tpu.memref_slice %arg8[%mul3A_791, %dma_start3A_792] : memref<10000x128xf32, #tpu.memory_space<vmem_shared>> -> memref<1000x128xf32, #tpu.memory_space<vmem_shared>>
      tpu.enqueue_dma source(%arg4 : memref<1000x128xf32, #tpu.memory_space<hbm>>) target(%dma_start3A_793 : memref<1000x128xf32, #tpu.memory_space<vmem_shared>>) target_semaphore(%arg12 : memref<!tpu.dma_semaphore, #tpu.memory_space<semaphore_mem>>)
      %while3A_794 = arith.constant 0 : i32
      scf.yield %while3A_794 : i32
    }
    %while3A_34 = arith.constant 0 : i32
    %while3A_35 = arith.constant 0 : i32
    %while3A_36 = arith.subi %select_n3A, %while3A_34 : i32
    %while3A_37 = arith.addi %while3A_34, %while3A_36 : i32
    %while3A_38 = arith.constant 1 : i32
    %while3A_39 = arith.divsi %while3A_36, %while3A_38 : i32
    %while3A_40 = arith.muli %while3A_39, %while3A_38 : i32
    %while3A_41 = arith.addi %while3A_34, %while3A_40 : i32
    %while3A_42 = arith.constant 1 : i32
    %while3A_43 = scf.for %while3A_785 = %while3A_34 to %while3A_41 step %while3A_42 iter_args(%while3A_786 = %while3A_35) -> (i32)  : i32 {
      %mul3A_787 = arith.constant 1000 : i32
      %mul3A_788 = arith.muli %arg1, %mul3A_787 : i32
      %dma_wait3A_789 = arith.constant 0 : i32
      %dma_wait3A_790 = tpu.memref_slice %arg8[%mul3A_788, %dma_wait3A_789] : memref<10000x128xf32, #tpu.memory_space<vmem_shared>> -> memref<1000x128xf32, #tpu.memory_space<vmem_shared>>
      tpu.wait_dma2 semaphore(%arg12 : memref<!tpu.dma_semaphore, #tpu.memory_space<semaphore_mem>>) src(%arg4 : memref<1000x128xf32, #tpu.memory_space<hbm>>) dst(%dma_wait3A_790 : memref<1000x128xf32, #tpu.memory_space<vmem_shared>>)
      %while3A_791 = arith.constant 0 : i32
      scf.yield %while3A_791 : i32
    }
    %while3A_44 = arith.constant 1 : i32
    %while3A_45 = scf.for %while3A_785 = %while3A_41 to %while3A_37 step %while3A_44 iter_args(%while3A_786 = %while3A_43) -> (i32)  : i32 {
      %mul3A_787 = arith.constant 1000 : i32
      %mul3A_788 = arith.muli %arg1, %mul3A_787 : i32
      %dma_wait3A_789 = arith.constant 0 : i32
      %dma_wait3A_790 = tpu.memref_slice %arg8[%mul3A_788, %dma_wait3A_789] : memref<10000x128xf32, #tpu.memory_space<vmem_shared>> -> memref<1000x128xf32, #tpu.memory_space<vmem_shared>>
      tpu.wait_dma2 semaphore(%arg12 : memref<!tpu.dma_semaphore, #tpu.memory_space<semaphore_mem>>) src(%arg4 : memref<1000x128xf32, #tpu.memory_space<hbm>>) dst(%dma_wait3A_790 : memref<1000x128xf32, #tpu.memory_space<vmem_shared>>)
      %while3A_791 = arith.constant 0 : i32
      scf.yield %while3A_791 : i32
    }
    %barrier3A = arith.constant 0 : index
    tpu.barrier barrier_id(%barrier3A)
    %dma_start3A = arith.constant 0 : i32
    %dma_start3A_46 = arith.constant 0 : i32
    %dma_start3A_47 = arith.constant 0 : i32
    %dma_start3A_48 = arith.constant 0 : i32
    %dma_start3A_49 = arith.constant 0 : i32
    %dma_start3A_50 = tpu.memref_slice %arg6[%dma_start3A_46, %dma_start3A_48, %dma_start3A_49] : memref<3x2x80xi32, #tpu.memory_space<vmem>> -> memref<1x2x80xi32, #tpu.memory_space<vmem>>
    %dma_start3A_51 = tpu.memref_squeeze %dma_start3A_50 : memref<1x2x80xi32, #tpu.memory_space<vmem>> -> memref<2x80xi32, #tpu.memory_space<vmem>>
    %dma_start3A_52 = arith.constant 0 : i32
    %dma_start3A_53 = arith.constant 0 : i32
    %dma_start3A_54 = arith.constant 0 : i32
    %dma_start3A_55 = tpu.memref_slice %arg2[%add3A, %dma_start3A_52, %dma_start3A_53, %dma_start3A_54] : memref<32x125x2x80xi32, #tpu.memory_space<hbm>> -> memref<1x125x2x80xi32, #tpu.memory_space<hbm>>
    %dma_start3A_56 = tpu.memref_squeeze %dma_start3A_55 : memref<1x125x2x80xi32, #tpu.memory_space<hbm>> -> memref<125x2x80xi32, #tpu.memory_space<hbm>>
    %dma_start3A_57 = arith.constant 0 : i32
    %dma_start3A_58 = arith.constant 0 : i32
    %dma_start3A_59 = tpu.memref_slice %dma_start3A_56[%dma_start3A, %dma_start3A_57, %dma_start3A_58] : memref<125x2x80xi32, #tpu.memory_space<hbm>> -> memref<1x2x80xi32, #tpu.memory_space<hbm>>
    %dma_start3A_60 = tpu.memref_squeeze %dma_start3A_59 : memref<1x2x80xi32, #tpu.memory_space<hbm>> -> memref<2x80xi32, #tpu.memory_space<hbm>>
    %dma_start3A_61 = tpu.memref_slice %arg9[%dma_start3A_47] : memref<3x!tpu.dma_semaphore, #tpu.memory_space<semaphore_mem>> -> memref<1x!tpu.dma_semaphore, #tpu.memory_space<semaphore_mem>>
    %dma_start3A_62 = tpu.memref_squeeze %dma_start3A_61 : memref<1x!tpu.dma_semaphore, #tpu.memory_space<semaphore_mem>> -> memref<!tpu.dma_semaphore, #tpu.memory_space<semaphore_mem>>
    %dma_start3A_63 = arith.constant 0 : i32
    %dma_start3A_64 = arith.constant 0 : i32
    %dma_start3A_65 = tpu.memref_slice %arg6[%dma_start3A_46, %dma_start3A_63, %dma_start3A_64] : memref<3x2x80xi32, #tpu.memory_space<vmem>> -> memref<1x2x80xi32, #tpu.memory_space<vmem>>
    %dma_start3A_66 = tpu.memref_squeeze %dma_start3A_65 : memref<1x2x80xi32, #tpu.memory_space<vmem>> -> memref<2x80xi32, #tpu.memory_space<vmem>>
    %dma_start3A_67 = arith.constant 0 : i32
    %dma_start3A_68 = arith.constant 0 : i32
    %dma_start3A_69 = arith.constant 0 : i32
    %dma_start3A_70 = tpu.memref_slice %arg2[%add3A, %dma_start3A_67, %dma_start3A_68, %dma_start3A_69] : memref<32x125x2x80xi32, #tpu.memory_space<hbm>> -> memref<1x125x2x80xi32, #tpu.memory_space<hbm>>
    %dma_start3A_71 = tpu.memref_squeeze %dma_start3A_70 : memref<1x125x2x80xi32, #tpu.memory_space<hbm>> -> memref<125x2x80xi32, #tpu.memory_space<hbm>>
    %dma_start3A_72 = arith.constant 0 : i32
    %dma_start3A_73 = arith.constant 0 : i32
    %dma_start3A_74 = tpu.memref_slice %dma_start3A_71[%dma_start3A, %dma_start3A_72, %dma_start3A_73] : memref<125x2x80xi32, #tpu.memory_space<hbm>> -> memref<1x2x80xi32, #tpu.memory_space<hbm>>
    %dma_start3A_75 = tpu.memref_squeeze %dma_start3A_74 : memref<1x2x80xi32, #tpu.memory_space<hbm>> -> memref<2x80xi32, #tpu.memory_space<hbm>>
    tpu.enqueue_dma source(%dma_start3A_75 : memref<2x80xi32, #tpu.memory_space<hbm>>) target(%dma_start3A_66 : memref<2x80xi32, #tpu.memory_space<vmem>>) target_semaphore(%dma_start3A_62 : memref<!tpu.dma_semaphore, #tpu.memory_space<semaphore_mem>>)
    %dma_start3A_76 = arith.constant 1 : i32
    %dma_start3A_77 = arith.constant 1 : i32
    %dma_start3A_78 = arith.constant 1 : i32
    %dma_start3A_79 = arith.constant 0 : i32
    %dma_start3A_80 = arith.constant 0 : i32
    %dma_start3A_81 = tpu.memref_slice %arg6[%dma_start3A_77, %dma_start3A_79, %dma_start3A_80] : memref<3x2x80xi32, #tpu.memory_space<vmem>> -> memref<1x2x80xi32, #tpu.memory_space<vmem>>
    %dma_start3A_82 = tpu.memref_squeeze %dma_start3A_81 : memref<1x2x80xi32, #tpu.memory_space<vmem>> -> memref<2x80xi32, #tpu.memory_space<vmem>>
    %dma_start3A_83 = arith.constant 0 : i32
    %dma_start3A_84 = arith.constant 0 : i32
    %dma_start3A_85 = arith.constant 0 : i32
    %dma_start3A_86 = tpu.memref_slice %arg2[%add3A, %dma_start3A_83, %dma_start3A_84, %dma_start3A_85] : memref<32x125x2x80xi32, #tpu.memory_space<hbm>> -> memref<1x125x2x80xi32, #tpu.memory_space<hbm>>
    %dma_start3A_87 = tpu.memref_squeeze %dma_start3A_86 : memref<1x125x2x80xi32, #tpu.memory_space<hbm>> -> memref<125x2x80xi32, #tpu.memory_space<hbm>>
    %dma_start3A_88 = arith.constant 0 : i32
    %dma_start3A_89 = arith.constant 0 : i32
    %dma_start3A_90 = tpu.memref_slice %dma_start3A_87[%dma_start3A_76, %dma_start3A_88, %dma_start3A_89] : memref<125x2x80xi32, #tpu.memory_space<hbm>> -> memref<1x2x80xi32, #tpu.memory_space<hbm>>
    %dma_start3A_91 = tpu.memref_squeeze %dma_start3A_90 : memref<1x2x80xi32, #tpu.memory_space<hbm>> -> memref<2x80xi32, #tpu.memory_space<hbm>>
    %dma_start3A_92 = tpu.memref_slice %arg9[%dma_start3A_78] : memref<3x!tpu.dma_semaphore, #tpu.memory_space<semaphore_mem>> -> memref<1x!tpu.dma_semaphore, #tpu.memory_space<semaphore_mem>>
    %dma_start3A_93 = tpu.memref_squeeze %dma_start3A_92 : memref<1x!tpu.dma_semaphore, #tpu.memory_space<semaphore_mem>> -> memref<!tpu.dma_semaphore, #tpu.memory_space<semaphore_mem>>
    %dma_start3A_94 = arith.constant 0 : i32
    %dma_start3A_95 = arith.constant 0 : i32
    %dma_start3A_96 = tpu.memref_slice %arg6[%dma_start3A_77, %dma_start3A_94, %dma_start3A_95] : memref<3x2x80xi32, #tpu.memory_space<vmem>> -> memref<1x2x80xi32, #tpu.memory_space<vmem>>
    %dma_start3A_97 = tpu.memref_squeeze %dma_start3A_96 : memref<1x2x80xi32, #tpu.memory_space<vmem>> -> memref<2x80xi32, #tpu.memory_space<vmem>>
    %dma_start3A_98 = arith.constant 0 : i32
    %dma_start3A_99 = arith.constant 0 : i32
    %dma_start3A_100 = arith.constant 0 : i32
    %dma_start3A_101 = tpu.memref_slice %arg2[%add3A, %dma_start3A_98, %dma_start3A_99, %dma_start3A_100] : memref<32x125x2x80xi32, #tpu.memory_space<hbm>> -> memref<1x125x2x80xi32, #tpu.memory_space<hbm>>
    %dma_start3A_102 = tpu.memref_squeeze %dma_start3A_101 : memref<1x125x2x80xi32, #tpu.memory_space<hbm>> -> memref<125x2x80xi32, #tpu.memory_space<hbm>>
    %dma_start3A_103 = arith.constant 0 : i32
    %dma_start3A_104 = arith.constant 0 : i32
    %dma_start3A_105 = tpu.memref_slice %dma_start3A_102[%dma_start3A_76, %dma_start3A_103, %dma_start3A_104] : memref<125x2x80xi32, #tpu.memory_space<hbm>> -> memref<1x2x80xi32, #tpu.memory_space<hbm>>
    %dma_start3A_106 = tpu.memref_squeeze %dma_start3A_105 : memref<1x2x80xi32, #tpu.memory_space<hbm>> -> memref<2x80xi32, #tpu.memory_space<hbm>>
    tpu.enqueue_dma source(%dma_start3A_106 : memref<2x80xi32, #tpu.memory_space<hbm>>) target(%dma_start3A_97 : memref<2x80xi32, #tpu.memory_space<vmem>>) target_semaphore(%dma_start3A_93 : memref<!tpu.dma_semaphore, #tpu.memory_space<semaphore_mem>>)
    %dma_wait3A = arith.constant 0 : i32
    %dma_wait3A_107 = arith.constant 0 : i32
    %dma_wait3A_108 = arith.constant 0 : i32
    %dma_wait3A_109 = arith.constant 0 : i32
    %dma_wait3A_110 = arith.constant 0 : i32
    %dma_wait3A_111 = tpu.memref_slice %arg6[%dma_wait3A_107, %dma_wait3A_109, %dma_wait3A_110] : memref<3x2x80xi32, #tpu.memory_space<vmem>> -> memref<1x2x80xi32, #tpu.memory_space<vmem>>
    %dma_wait3A_112 = tpu.memref_squeeze %dma_wait3A_111 : memref<1x2x80xi32, #tpu.memory_space<vmem>> -> memref<2x80xi32, #tpu.memory_space<vmem>>
    %dma_wait3A_113 = arith.constant 0 : i32
    %dma_wait3A_114 = arith.constant 0 : i32
    %dma_wait3A_115 = arith.constant 0 : i32
    %dma_wait3A_116 = tpu.memref_slice %arg2[%add3A, %dma_wait3A_113, %dma_wait3A_114, %dma_wait3A_115] : memref<32x125x2x80xi32, #tpu.memory_space<hbm>> -> memref<1x125x2x80xi32, #tpu.memory_space<hbm>>
    %dma_wait3A_117 = tpu.memref_squeeze %dma_wait3A_116 : memref<1x125x2x80xi32, #tpu.memory_space<hbm>> -> memref<125x2x80xi32, #tpu.memory_space<hbm>>
    %dma_wait3A_118 = arith.constant 0 : i32
    %dma_wait3A_119 = arith.constant 0 : i32
    %dma_wait3A_120 = tpu.memref_slice %dma_wait3A_117[%dma_wait3A, %dma_wait3A_118, %dma_wait3A_119] : memref<125x2x80xi32, #tpu.memory_space<hbm>> -> memref<1x2x80xi32, #tpu.memory_space<hbm>>
    %dma_wait3A_121 = tpu.memref_squeeze %dma_wait3A_120 : memref<1x2x80xi32, #tpu.memory_space<hbm>> -> memref<2x80xi32, #tpu.memory_space<hbm>>
    %dma_wait3A_122 = tpu.memref_slice %arg9[%dma_wait3A_108] : memref<3x!tpu.dma_semaphore, #tpu.memory_space<semaphore_mem>> -> memref<1x!tpu.dma_semaphore, #tpu.memory_space<semaphore_mem>>
    %dma_wait3A_123 = tpu.memref_squeeze %dma_wait3A_122 : memref<1x!tpu.dma_semaphore, #tpu.memory_space<semaphore_mem>> -> memref<!tpu.dma_semaphore, #tpu.memory_space<semaphore_mem>>
    %dma_wait3A_124 = arith.constant 0 : i32
    %dma_wait3A_125 = arith.constant 0 : i32
    %dma_wait3A_126 = tpu.memref_slice %arg6[%dma_wait3A_107, %dma_wait3A_124, %dma_wait3A_125] : memref<3x2x80xi32, #tpu.memory_space<vmem>> -> memref<1x2x80xi32, #tpu.memory_space<vmem>>
    %dma_wait3A_127 = tpu.memref_squeeze %dma_wait3A_126 : memref<1x2x80xi32, #tpu.memory_space<vmem>> -> memref<2x80xi32, #tpu.memory_space<vmem>>
    %dma_wait3A_128 = arith.constant 0 : i32
    %dma_wait3A_129 = arith.constant 0 : i32
    %dma_wait3A_130 = arith.constant 0 : i32
    %dma_wait3A_131 = tpu.memref_slice %arg2[%add3A, %dma_wait3A_128, %dma_wait3A_129, %dma_wait3A_130] : memref<32x125x2x80xi32, #tpu.memory_space<hbm>> -> memref<1x125x2x80xi32, #tpu.memory_space<hbm>>
    %dma_wait3A_132 = tpu.memref_squeeze %dma_wait3A_131 : memref<1x125x2x80xi32, #tpu.memory_space<hbm>> -> memref<125x2x80xi32, #tpu.memory_space<hbm>>
    %dma_wait3A_133 = arith.constant 0 : i32
    %dma_wait3A_134 = arith.constant 0 : i32
    %dma_wait3A_135 = tpu.memref_slice %dma_wait3A_132[%dma_wait3A, %dma_wait3A_133, %dma_wait3A_134] : memref<125x2x80xi32, #tpu.memory_space<hbm>> -> memref<1x2x80xi32, #tpu.memory_space<hbm>>
    %dma_wait3A_136 = tpu.memref_squeeze %dma_wait3A_135 : memref<1x2x80xi32, #tpu.memory_space<hbm>> -> memref<2x80xi32, #tpu.memory_space<hbm>>
    tpu.wait_dma2 semaphore(%dma_wait3A_123 : memref<!tpu.dma_semaphore, #tpu.memory_space<semaphore_mem>>) src(%dma_wait3A_136 : memref<2x80xi32, #tpu.memory_space<hbm>>) dst(%dma_wait3A_127 : memref<2x80xi32, #tpu.memory_space<vmem>>)
    %dma_start3A_137 = arith.constant 0 : i32
    %dma_start3A_138 = arith.constant 0 : i32
    %dma_start3A_139 = arith.constant 0 : i32
    %dma_start3A_140 = arith.constant 0 : i32
    %dma_start3A_141 = arith.constant 0 : i32
    %dma_start3A_142 = arith.constant 0 : i32
    %dma_start3A_143 = tpu.memref_slice %arg7[%dma_start3A_139, %dma_start3A_141, %dma_start3A_142] : memref<3x80x128xf32, #tpu.memory_space<vmem>> -> memref<1x80x128xf32, #tpu.memory_space<vmem>>
    %dma_start3A_144 = tpu.memref_squeeze %dma_start3A_143 : memref<1x80x128xf32, #tpu.memory_space<vmem>> -> memref<80x128xf32, #tpu.memory_space<vmem>>
    %dma_start3A_145 = arith.constant 0 : i32
    %dma_start3A_146 = arith.constant 0 : i32
    %dma_start3A_147 = tpu.memref_slice %arg6[%dma_start3A_137, %dma_start3A_145, %dma_start3A_146] : memref<3x2x80xi32, #tpu.memory_space<vmem>> -> memref<1x2x80xi32, #tpu.memory_space<vmem>>
    %dma_start3A_148 = tpu.memref_squeeze %dma_start3A_147 : memref<1x2x80xi32, #tpu.memory_space<vmem>> -> memref<2x80xi32, #tpu.memory_space<vmem>>
    %dma_start3A_149 = arith.constant 0 : i32
    %dma_start3A_150 = tpu.memref_slice %dma_start3A_148[%dma_start3A_138, %dma_start3A_149] : memref<2x80xi32, #tpu.memory_space<vmem>> -> memref<1x80xi32, #tpu.memory_space<vmem>>
    %dma_start3A_151 = tpu.memref_squeeze %dma_start3A_150 : memref<1x80xi32, #tpu.memory_space<vmem>> -> memref<80xi32, #tpu.memory_space<vmem>>
    %dma_start3A_152 = arith.constant 0 : i32
    %dma_start3A_153 = arith.constant 0 : i32
    %dma_start3A_154 = tpu.memref_slice %arg3[%dma_start3A_152, %dma_start3A_153] : memref<10000x128xf32, #tpu.memory_space<hbm>> -> memref<10000x128xf32, #tpu.memory_space<hbm>>
    %dma_start3A_155 = tpu.memref_slice %arg10[%dma_start3A_140] : memref<3x!tpu.dma_semaphore, #tpu.memory_space<semaphore_mem>> -> memref<1x!tpu.dma_semaphore, #tpu.memory_space<semaphore_mem>>
    %dma_start3A_156 = tpu.memref_squeeze %dma_start3A_155 : memref<1x!tpu.dma_semaphore, #tpu.memory_space<semaphore_mem>> -> memref<!tpu.dma_semaphore, #tpu.memory_space<semaphore_mem>>
    tpu.enqueue_indirect_dma source(%dma_start3A_154 : memref<10000x128xf32, #tpu.memory_space<hbm>>) target(%dma_start3A_144 : memref<80x128xf32, #tpu.memory_space<vmem>>) offsets(%dma_start3A_151 : memref<80xi32, #tpu.memory_space<vmem>>) semaphore(%dma_start3A_156 : memref<!tpu.dma_semaphore, #tpu.memory_space<semaphore_mem>>)
    %dma_wait3A_157 = arith.constant 1 : i32
    %dma_wait3A_158 = arith.constant 1 : i32
    %dma_wait3A_159 = arith.constant 1 : i32
    %dma_wait3A_160 = arith.constant 0 : i32
    %dma_wait3A_161 = arith.constant 0 : i32
    %dma_wait3A_162 = tpu.memref_slice %arg6[%dma_wait3A_158, %dma_wait3A_160, %dma_wait3A_161] : memref<3x2x80xi32, #tpu.memory_space<vmem>> -> memref<1x2x80xi32, #tpu.memory_space<vmem>>
    %dma_wait3A_163 = tpu.memref_squeeze %dma_wait3A_162 : memref<1x2x80xi32, #tpu.memory_space<vmem>> -> memref<2x80xi32, #tpu.memory_space<vmem>>
    %dma_wait3A_164 = arith.constant 0 : i32
    %dma_wait3A_165 = arith.constant 0 : i32
    %dma_wait3A_166 = arith.constant 0 : i32
    %dma_wait3A_167 = tpu.memref_slice %arg2[%add3A, %dma_wait3A_164, %dma_wait3A_165, %dma_wait3A_166] : memref<32x125x2x80xi32, #tpu.memory_space<hbm>> -> memref<1x125x2x80xi32, #tpu.memory_space<hbm>>
    %dma_wait3A_168 = tpu.memref_squeeze %dma_wait3A_167 : memref<1x125x2x80xi32, #tpu.memory_space<hbm>> -> memref<125x2x80xi32, #tpu.memory_space<hbm>>
    %dma_wait3A_169 = arith.constant 0 : i32
    %dma_wait3A_170 = arith.constant 0 : i32
    %dma_wait3A_171 = tpu.memref_slice %dma_wait3A_168[%dma_wait3A_157, %dma_wait3A_169, %dma_wait3A_170] : memref<125x2x80xi32, #tpu.memory_space<hbm>> -> memref<1x2x80xi32, #tpu.memory_space<hbm>>
    %dma_wait3A_172 = tpu.memref_squeeze %dma_wait3A_171 : memref<1x2x80xi32, #tpu.memory_space<hbm>> -> memref<2x80xi32, #tpu.memory_space<hbm>>
    %dma_wait3A_173 = tpu.memref_slice %arg9[%dma_wait3A_159] : memref<3x!tpu.dma_semaphore, #tpu.memory_space<semaphore_mem>> -> memref<1x!tpu.dma_semaphore, #tpu.memory_space<semaphore_mem>>
    %dma_wait3A_174 = tpu.memref_squeeze %dma_wait3A_173 : memref<1x!tpu.dma_semaphore, #tpu.memory_space<semaphore_mem>> -> memref<!tpu.dma_semaphore, #tpu.memory_space<semaphore_mem>>
    %dma_wait3A_175 = arith.constant 0 : i32
    %dma_wait3A_176 = arith.constant 0 : i32
    %dma_wait3A_177 = tpu.memref_slice %arg6[%dma_wait3A_158, %dma_wait3A_175, %dma_wait3A_176] : memref<3x2x80xi32, #tpu.memory_space<vmem>> -> memref<1x2x80xi32, #tpu.memory_space<vmem>>
    %dma_wait3A_178 = tpu.memref_squeeze %dma_wait3A_177 : memref<1x2x80xi32, #tpu.memory_space<vmem>> -> memref<2x80xi32, #tpu.memory_space<vmem>>
    %dma_wait3A_179 = arith.constant 0 : i32
    %dma_wait3A_180 = arith.constant 0 : i32
    %dma_wait3A_181 = arith.constant 0 : i32
    %dma_wait3A_182 = tpu.memref_slice %arg2[%add3A, %dma_wait3A_179, %dma_wait3A_180, %dma_wait3A_181] : memref<32x125x2x80xi32, #tpu.memory_space<hbm>> -> memref<1x125x2x80xi32, #tpu.memory_space<hbm>>
    %dma_wait3A_183 = tpu.memref_squeeze %dma_wait3A_182 : memref<1x125x2x80xi32, #tpu.memory_space<hbm>> -> memref<125x2x80xi32, #tpu.memory_space<hbm>>
    %dma_wait3A_184 = arith.constant 0 : i32
    %dma_wait3A_185 = arith.constant 0 : i32
    %dma_wait3A_186 = tpu.memref_slice %dma_wait3A_183[%dma_wait3A_157, %dma_wait3A_184, %dma_wait3A_185] : memref<125x2x80xi32, #tpu.memory_space<hbm>> -> memref<1x2x80xi32, #tpu.memory_space<hbm>>
    %dma_wait3A_187 = tpu.memref_squeeze %dma_wait3A_186 : memref<1x2x80xi32, #tpu.memory_space<hbm>> -> memref<2x80xi32, #tpu.memory_space<hbm>>
    tpu.wait_dma2 semaphore(%dma_wait3A_174 : memref<!tpu.dma_semaphore, #tpu.memory_space<semaphore_mem>>) src(%dma_wait3A_187 : memref<2x80xi32, #tpu.memory_space<hbm>>) dst(%dma_wait3A_178 : memref<2x80xi32, #tpu.memory_space<vmem>>)
    %dma_start3A_188 = arith.constant 1 : i32
    %dma_start3A_189 = arith.constant 0 : i32
    %dma_start3A_190 = arith.constant 1 : i32
    %dma_start3A_191 = arith.constant 1 : i32
    %dma_start3A_192 = arith.constant 0 : i32
    %dma_start3A_193 = arith.constant 0 : i32
    %dma_start3A_194 = tpu.memref_slice %arg7[%dma_start3A_190, %dma_start3A_192, %dma_start3A_193] : memref<3x80x128xf32, #tpu.memory_space<vmem>> -> memref<1x80x128xf32, #tpu.memory_space<vmem>>
    %dma_start3A_195 = tpu.memref_squeeze %dma_start3A_194 : memref<1x80x128xf32, #tpu.memory_space<vmem>> -> memref<80x128xf32, #tpu.memory_space<vmem>>
    %dma_start3A_196 = arith.constant 0 : i32
    %dma_start3A_197 = arith.constant 0 : i32
    %dma_start3A_198 = tpu.memref_slice %arg6[%dma_start3A_188, %dma_start3A_196, %dma_start3A_197] : memref<3x2x80xi32, #tpu.memory_space<vmem>> -> memref<1x2x80xi32, #tpu.memory_space<vmem>>
    %dma_start3A_199 = tpu.memref_squeeze %dma_start3A_198 : memref<1x2x80xi32, #tpu.memory_space<vmem>> -> memref<2x80xi32, #tpu.memory_space<vmem>>
    %dma_start3A_200 = arith.constant 0 : i32
    %dma_start3A_201 = tpu.memref_slice %dma_start3A_199[%dma_start3A_189, %dma_start3A_200] : memref<2x80xi32, #tpu.memory_space<vmem>> -> memref<1x80xi32, #tpu.memory_space<vmem>>
    %dma_start3A_202 = tpu.memref_squeeze %dma_start3A_201 : memref<1x80xi32, #tpu.memory_space<vmem>> -> memref<80xi32, #tpu.memory_space<vmem>>
    %dma_start3A_203 = arith.constant 0 : i32
    %dma_start3A_204 = arith.constant 0 : i32
    %dma_start3A_205 = tpu.memref_slice %arg3[%dma_start3A_203, %dma_start3A_204] : memref<10000x128xf32, #tpu.memory_space<hbm>> -> memref<10000x128xf32, #tpu.memory_space<hbm>>
    %dma_start3A_206 = tpu.memref_slice %arg10[%dma_start3A_191] : memref<3x!tpu.dma_semaphore, #tpu.memory_space<semaphore_mem>> -> memref<1x!tpu.dma_semaphore, #tpu.memory_space<semaphore_mem>>
    %dma_start3A_207 = tpu.memref_squeeze %dma_start3A_206 : memref<1x!tpu.dma_semaphore, #tpu.memory_space<semaphore_mem>> -> memref<!tpu.dma_semaphore, #tpu.memory_space<semaphore_mem>>
    tpu.enqueue_indirect_dma source(%dma_start3A_205 : memref<10000x128xf32, #tpu.memory_space<hbm>>) target(%dma_start3A_195 : memref<80x128xf32, #tpu.memory_space<vmem>>) offsets(%dma_start3A_202 : memref<80xi32, #tpu.memory_space<vmem>>) semaphore(%dma_start3A_207 : memref<!tpu.dma_semaphore, #tpu.memory_space<semaphore_mem>>)
    %dma_start3A_208 = arith.constant 2 : i32
    %dma_start3A_209 = arith.constant 2 : i32
    %dma_start3A_210 = arith.constant 2 : i32
    %dma_start3A_211 = arith.constant 0 : i32
    %dma_start3A_212 = arith.constant 0 : i32
    %dma_start3A_213 = tpu.memref_slice %arg6[%dma_start3A_209, %dma_start3A_211, %dma_start3A_212] : memref<3x2x80xi32, #tpu.memory_space<vmem>> -> memref<1x2x80xi32, #tpu.memory_space<vmem>>
    %dma_start3A_214 = tpu.memref_squeeze %dma_start3A_213 : memref<1x2x80xi32, #tpu.memory_space<vmem>> -> memref<2x80xi32, #tpu.memory_space<vmem>>
    %dma_start3A_215 = arith.constant 0 : i32
    %dma_start3A_216 = arith.constant 0 : i32
    %dma_start3A_217 = arith.constant 0 : i32
    %dma_start3A_218 = tpu.memref_slice %arg2[%add3A, %dma_start3A_215, %dma_start3A_216, %dma_start3A_217] : memref<32x125x2x80xi32, #tpu.memory_space<hbm>> -> memref<1x125x2x80xi32, #tpu.memory_space<hbm>>
    %dma_start3A_219 = tpu.memref_squeeze %dma_start3A_218 : memref<1x125x2x80xi32, #tpu.memory_space<hbm>> -> memref<125x2x80xi32, #tpu.memory_space<hbm>>
    %dma_start3A_220 = arith.constant 0 : i32
    %dma_start3A_221 = arith.constant 0 : i32
    %dma_start3A_222 = tpu.memref_slice %dma_start3A_219[%dma_start3A_208, %dma_start3A_220, %dma_start3A_221] : memref<125x2x80xi32, #tpu.memory_space<hbm>> -> memref<1x2x80xi32, #tpu.memory_space<hbm>>
    %dma_start3A_223 = tpu.memref_squeeze %dma_start3A_222 : memref<1x2x80xi32, #tpu.memory_space<hbm>> -> memref<2x80xi32, #tpu.memory_space<hbm>>
    %dma_start3A_224 = tpu.memref_slice %arg9[%dma_start3A_210] : memref<3x!tpu.dma_semaphore, #tpu.memory_space<semaphore_mem>> -> memref<1x!tpu.dma_semaphore, #tpu.memory_space<semaphore_mem>>
    %dma_start3A_225 = tpu.memref_squeeze %dma_start3A_224 : memref<1x!tpu.dma_semaphore, #tpu.memory_space<semaphore_mem>> -> memref<!tpu.dma_semaphore, #tpu.memory_space<semaphore_mem>>
    %dma_start3A_226 = arith.constant 0 : i32
    %dma_start3A_227 = arith.constant 0 : i32
    %dma_start3A_228 = tpu.memref_slice %arg6[%dma_start3A_209, %dma_start3A_226, %dma_start3A_227] : memref<3x2x80xi32, #tpu.memory_space<vmem>> -> memref<1x2x80xi32, #tpu.memory_space<vmem>>
    %dma_start3A_229 = tpu.memref_squeeze %dma_start3A_228 : memref<1x2x80xi32, #tpu.memory_space<vmem>> -> memref<2x80xi32, #tpu.memory_space<vmem>>
    %dma_start3A_230 = arith.constant 0 : i32
    %dma_start3A_231 = arith.constant 0 : i32
    %dma_start3A_232 = arith.constant 0 : i32
    %dma_start3A_233 = tpu.memref_slice %arg2[%add3A, %dma_start3A_230, %dma_start3A_231, %dma_start3A_232] : memref<32x125x2x80xi32, #tpu.memory_space<hbm>> -> memref<1x125x2x80xi32, #tpu.memory_space<hbm>>
    %dma_start3A_234 = tpu.memref_squeeze %dma_start3A_233 : memref<1x125x2x80xi32, #tpu.memory_space<hbm>> -> memref<125x2x80xi32, #tpu.memory_space<hbm>>
    %dma_start3A_235 = arith.constant 0 : i32
    %dma_start3A_236 = arith.constant 0 : i32
    %dma_start3A_237 = tpu.memref_slice %dma_start3A_234[%dma_start3A_208, %dma_start3A_235, %dma_start3A_236] : memref<125x2x80xi32, #tpu.memory_space<hbm>> -> memref<1x2x80xi32, #tpu.memory_space<hbm>>
    %dma_start3A_238 = tpu.memref_squeeze %dma_start3A_237 : memref<1x2x80xi32, #tpu.memory_space<hbm>> -> memref<2x80xi32, #tpu.memory_space<hbm>>
    tpu.enqueue_dma source(%dma_start3A_238 : memref<2x80xi32, #tpu.memory_space<hbm>>) target(%dma_start3A_229 : memref<2x80xi32, #tpu.memory_space<vmem>>) target_semaphore(%dma_start3A_225 : memref<!tpu.dma_semaphore, #tpu.memory_space<semaphore_mem>>)
    %dma_wait3A_239 = arith.constant 0 : i32
    %dma_wait3A_240 = arith.constant 0 : i32
    %dma_wait3A_241 = arith.constant 0 : i32
    %dma_wait3A_242 = arith.constant 0 : i32
    %dma_wait3A_243 = arith.constant 0 : i32
    %dma_wait3A_244 = arith.constant 0 : i32
    %dma_wait3A_245 = tpu.memref_slice %arg7[%dma_wait3A_241, %dma_wait3A_243, %dma_wait3A_244] : memref<3x80x128xf32, #tpu.memory_space<vmem>> -> memref<1x80x128xf32, #tpu.memory_space<vmem>>
    %dma_wait3A_246 = tpu.memref_squeeze %dma_wait3A_245 : memref<1x80x128xf32, #tpu.memory_space<vmem>> -> memref<80x128xf32, #tpu.memory_space<vmem>>
    %dma_wait3A_247 = arith.constant 0 : i32
    %dma_wait3A_248 = arith.constant 0 : i32
    %dma_wait3A_249 = tpu.memref_slice %arg6[%dma_wait3A_239, %dma_wait3A_247, %dma_wait3A_248] : memref<3x2x80xi32, #tpu.memory_space<vmem>> -> memref<1x2x80xi32, #tpu.memory_space<vmem>>
    %dma_wait3A_250 = tpu.memref_squeeze %dma_wait3A_249 : memref<1x2x80xi32, #tpu.memory_space<vmem>> -> memref<2x80xi32, #tpu.memory_space<vmem>>
    %dma_wait3A_251 = arith.constant 0 : i32
    %dma_wait3A_252 = tpu.memref_slice %dma_wait3A_250[%dma_wait3A_240, %dma_wait3A_251] : memref<2x80xi32, #tpu.memory_space<vmem>> -> memref<1x80xi32, #tpu.memory_space<vmem>>
    %dma_wait3A_253 = tpu.memref_squeeze %dma_wait3A_252 : memref<1x80xi32, #tpu.memory_space<vmem>> -> memref<80xi32, #tpu.memory_space<vmem>>
    %dma_wait3A_254 = arith.constant 0 : i32
    %dma_wait3A_255 = arith.constant 0 : i32
    %dma_wait3A_256 = tpu.memref_slice %arg3[%dma_wait3A_254, %dma_wait3A_255] : memref<10000x128xf32, #tpu.memory_space<hbm>> -> memref<10000x128xf32, #tpu.memory_space<hbm>>
    %dma_wait3A_257 = tpu.memref_slice %arg10[%dma_wait3A_242] : memref<3x!tpu.dma_semaphore, #tpu.memory_space<semaphore_mem>> -> memref<1x!tpu.dma_semaphore, #tpu.memory_space<semaphore_mem>>
    %dma_wait3A_258 = tpu.memref_squeeze %dma_wait3A_257 : memref<1x!tpu.dma_semaphore, #tpu.memory_space<semaphore_mem>> -> memref<!tpu.dma_semaphore, #tpu.memory_space<semaphore_mem>>
    tpu.wait_indirect_dma semaphore(%dma_wait3A_258 : memref<!tpu.dma_semaphore, #tpu.memory_space<semaphore_mem>>) src(%dma_wait3A_256 : memref<10000x128xf32, #tpu.memory_space<hbm>>) dst(%dma_wait3A_246 : memref<80x128xf32, #tpu.memory_space<vmem>>)
    %dma_start3A_259 = arith.constant 0 : i32
    %dma_start3A_260 = arith.constant 0 : i32
    %dma_start3A_261 = arith.constant 1 : i32
    %dma_start3A_262 = arith.constant 0 : i32
    %dma_start3A_263 = arith.constant 0 : i32
    %dma_start3A_264 = arith.constant 0 : i32
    %dma_start3A_265 = tpu.memref_slice %arg7[%dma_start3A_259, %dma_start3A_263, %dma_start3A_264] : memref<3x80x128xf32, #tpu.memory_space<vmem>> -> memref<1x80x128xf32, #tpu.memory_space<vmem>>
    %dma_start3A_266 = tpu.memref_squeeze %dma_start3A_265 : memref<1x80x128xf32, #tpu.memory_space<vmem>> -> memref<80x128xf32, #tpu.memory_space<vmem>>
    %dma_start3A_267 = arith.constant 0 : i32
    %dma_start3A_268 = arith.constant 0 : i32
    %dma_start3A_269 = tpu.memref_slice %arg6[%dma_start3A_260, %dma_start3A_267, %dma_start3A_268] : memref<3x2x80xi32, #tpu.memory_space<vmem>> -> memref<1x2x80xi32, #tpu.memory_space<vmem>>
    %dma_start3A_270 = tpu.memref_squeeze %dma_start3A_269 : memref<1x2x80xi32, #tpu.memory_space<vmem>> -> memref<2x80xi32, #tpu.memory_space<vmem>>
    %dma_start3A_271 = arith.constant 0 : i32
    %dma_start3A_272 = tpu.memref_slice %dma_start3A_270[%dma_start3A_261, %dma_start3A_271] : memref<2x80xi32, #tpu.memory_space<vmem>> -> memref<1x80xi32, #tpu.memory_space<vmem>>
    %dma_start3A_273 = tpu.memref_squeeze %dma_start3A_272 : memref<1x80xi32, #tpu.memory_space<vmem>> -> memref<80xi32, #tpu.memory_space<vmem>>
    %dma_start3A_274 = arith.constant 0 : i32
    %dma_start3A_275 = arith.constant 0 : i32
    %dma_start3A_276 = tpu.memref_slice %arg8[%dma_start3A_274, %dma_start3A_275] : memref<10000x128xf32, #tpu.memory_space<vmem_shared>> -> memref<10000x128xf32, #tpu.memory_space<vmem_shared>>
    %dma_start3A_277 = tpu.memref_slice %arg11[%dma_start3A_262] : memref<3x!tpu.dma_semaphore, #tpu.memory_space<semaphore_mem>> -> memref<1x!tpu.dma_semaphore, #tpu.memory_space<semaphore_mem>>
    %dma_start3A_278 = tpu.memref_squeeze %dma_start3A_277 : memref<1x!tpu.dma_semaphore, #tpu.memory_space<semaphore_mem>> -> memref<!tpu.dma_semaphore, #tpu.memory_space<semaphore_mem>>
    tpu.enqueue_indirect_dma source(%dma_start3A_266 : memref<80x128xf32, #tpu.memory_space<vmem>>) target(%dma_start3A_276 : memref<10000x128xf32, #tpu.memory_space<vmem_shared>>) offsets(%dma_start3A_273 : memref<80xi32, #tpu.memory_space<vmem>>) semaphore(%dma_start3A_278 : memref<!tpu.dma_semaphore, #tpu.memory_space<semaphore_mem>>) {add = true}
    %dma_wait3A_279 = arith.constant 2 : i32
    %dma_wait3A_280 = arith.constant 2 : i32
    %dma_wait3A_281 = arith.constant 2 : i32
    %dma_wait3A_282 = arith.constant 0 : i32
    %dma_wait3A_283 = arith.constant 0 : i32
    %dma_wait3A_284 = tpu.memref_slice %arg6[%dma_wait3A_280, %dma_wait3A_282, %dma_wait3A_283] : memref<3x2x80xi32, #tpu.memory_space<vmem>> -> memref<1x2x80xi32, #tpu.memory_space<vmem>>
    %dma_wait3A_285 = tpu.memref_squeeze %dma_wait3A_284 : memref<1x2x80xi32, #tpu.memory_space<vmem>> -> memref<2x80xi32, #tpu.memory_space<vmem>>
    %dma_wait3A_286 = arith.constant 0 : i32
    %dma_wait3A_287 = arith.constant 0 : i32
    %dma_wait3A_288 = arith.constant 0 : i32
    %dma_wait3A_289 = tpu.memref_slice %arg2[%add3A, %dma_wait3A_286, %dma_wait3A_287, %dma_wait3A_288] : memref<32x125x2x80xi32, #tpu.memory_space<hbm>> -> memref<1x125x2x80xi32, #tpu.memory_space<hbm>>
    %dma_wait3A_290 = tpu.memref_squeeze %dma_wait3A_289 : memref<1x125x2x80xi32, #tpu.memory_space<hbm>> -> memref<125x2x80xi32, #tpu.memory_space<hbm>>
    %dma_wait3A_291 = arith.constant 0 : i32
    %dma_wait3A_292 = arith.constant 0 : i32
    %dma_wait3A_293 = tpu.memref_slice %dma_wait3A_290[%dma_wait3A_279, %dma_wait3A_291, %dma_wait3A_292] : memref<125x2x80xi32, #tpu.memory_space<hbm>> -> memref<1x2x80xi32, #tpu.memory_space<hbm>>
    %dma_wait3A_294 = tpu.memref_squeeze %dma_wait3A_293 : memref<1x2x80xi32, #tpu.memory_space<hbm>> -> memref<2x80xi32, #tpu.memory_space<hbm>>
    %dma_wait3A_295 = tpu.memref_slice %arg9[%dma_wait3A_281] : memref<3x!tpu.dma_semaphore, #tpu.memory_space<semaphore_mem>> -> memref<1x!tpu.dma_semaphore, #tpu.memory_space<semaphore_mem>>
    %dma_wait3A_296 = tpu.memref_squeeze %dma_wait3A_295 : memref<1x!tpu.dma_semaphore, #tpu.memory_space<semaphore_mem>> -> memref<!tpu.dma_semaphore, #tpu.memory_space<semaphore_mem>>
    %dma_wait3A_297 = arith.constant 0 : i32
    %dma_wait3A_298 = arith.constant 0 : i32
    %dma_wait3A_299 = tpu.memref_slice %arg6[%dma_wait3A_280, %dma_wait3A_297, %dma_wait3A_298] : memref<3x2x80xi32, #tpu.memory_space<vmem>> -> memref<1x2x80xi32, #tpu.memory_space<vmem>>
    %dma_wait3A_300 = tpu.memref_squeeze %dma_wait3A_299 : memref<1x2x80xi32, #tpu.memory_space<vmem>> -> memref<2x80xi32, #tpu.memory_space<vmem>>
    %dma_wait3A_301 = arith.constant 0 : i32
    %dma_wait3A_302 = arith.constant 0 : i32
    %dma_wait3A_303 = arith.constant 0 : i32
    %dma_wait3A_304 = tpu.memref_slice %arg2[%add3A, %dma_wait3A_301, %dma_wait3A_302, %dma_wait3A_303] : memref<32x125x2x80xi32, #tpu.memory_space<hbm>> -> memref<1x125x2x80xi32, #tpu.memory_space<hbm>>
    %dma_wait3A_305 = tpu.memref_squeeze %dma_wait3A_304 : memref<1x125x2x80xi32, #tpu.memory_space<hbm>> -> memref<125x2x80xi32, #tpu.memory_space<hbm>>
    %dma_wait3A_306 = arith.constant 0 : i32
    %dma_wait3A_307 = arith.constant 0 : i32
    %dma_wait3A_308 = tpu.memref_slice %dma_wait3A_305[%dma_wait3A_279, %dma_wait3A_306, %dma_wait3A_307] : memref<125x2x80xi32, #tpu.memory_space<hbm>> -> memref<1x2x80xi32, #tpu.memory_space<hbm>>
    %dma_wait3A_309 = tpu.memref_squeeze %dma_wait3A_308 : memref<1x2x80xi32, #tpu.memory_space<hbm>> -> memref<2x80xi32, #tpu.memory_space<hbm>>
    tpu.wait_dma2 semaphore(%dma_wait3A_296 : memref<!tpu.dma_semaphore, #tpu.memory_space<semaphore_mem>>) src(%dma_wait3A_309 : memref<2x80xi32, #tpu.memory_space<hbm>>) dst(%dma_wait3A_300 : memref<2x80xi32, #tpu.memory_space<vmem>>)
    %dma_start3A_310 = arith.constant 2 : i32
    %dma_start3A_311 = arith.constant 0 : i32
    %dma_start3A_312 = arith.constant 2 : i32
    %dma_start3A_313 = arith.constant 2 : i32
    %dma_start3A_314 = arith.constant 0 : i32
    %dma_start3A_315 = arith.constant 0 : i32
    %dma_start3A_316 = tpu.memref_slice %arg7[%dma_start3A_312, %dma_start3A_314, %dma_start3A_315] : memref<3x80x128xf32, #tpu.memory_space<vmem>> -> memref<1x80x128xf32, #tpu.memory_space<vmem>>
    %dma_start3A_317 = tpu.memref_squeeze %dma_start3A_316 : memref<1x80x128xf32, #tpu.memory_space<vmem>> -> memref<80x128xf32, #tpu.memory_space<vmem>>
    %dma_start3A_318 = arith.constant 0 : i32
    %dma_start3A_319 = arith.constant 0 : i32
    %dma_start3A_320 = tpu.memref_slice %arg6[%dma_start3A_310, %dma_start3A_318, %dma_start3A_319] : memref<3x2x80xi32, #tpu.memory_space<vmem>> -> memref<1x2x80xi32, #tpu.memory_space<vmem>>
    %dma_start3A_321 = tpu.memref_squeeze %dma_start3A_320 : memref<1x2x80xi32, #tpu.memory_space<vmem>> -> memref<2x80xi32, #tpu.memory_space<vmem>>
    %dma_start3A_322 = arith.constant 0 : i32
    %dma_start3A_323 = tpu.memref_slice %dma_start3A_321[%dma_start3A_311, %dma_start3A_322] : memref<2x80xi32, #tpu.memory_space<vmem>> -> memref<1x80xi32, #tpu.memory_space<vmem>>
    %dma_start3A_324 = tpu.memref_squeeze %dma_start3A_323 : memref<1x80xi32, #tpu.memory_space<vmem>> -> memref<80xi32, #tpu.memory_space<vmem>>
    %dma_start3A_325 = arith.constant 0 : i32
    %dma_start3A_326 = arith.constant 0 : i32
    %dma_start3A_327 = tpu.memref_slice %arg3[%dma_start3A_325, %dma_start3A_326] : memref<10000x128xf32, #tpu.memory_space<hbm>> -> memref<10000x128xf32, #tpu.memory_space<hbm>>
    %dma_start3A_328 = tpu.memref_slice %arg10[%dma_start3A_313] : memref<3x!tpu.dma_semaphore, #tpu.memory_space<semaphore_mem>> -> memref<1x!tpu.dma_semaphore, #tpu.memory_space<semaphore_mem>>
    %dma_start3A_329 = tpu.memref_squeeze %dma_start3A_328 : memref<1x!tpu.dma_semaphore, #tpu.memory_space<semaphore_mem>> -> memref<!tpu.dma_semaphore, #tpu.memory_space<semaphore_mem>>
    tpu.enqueue_indirect_dma source(%dma_start3A_327 : memref<10000x128xf32, #tpu.memory_space<hbm>>) target(%dma_start3A_317 : memref<80x128xf32, #tpu.memory_space<vmem>>) offsets(%dma_start3A_324 : memref<80xi32, #tpu.memory_space<vmem>>) semaphore(%dma_start3A_329 : memref<!tpu.dma_semaphore, #tpu.memory_space<semaphore_mem>>)
    %scan3A = arith.constant 0 : i32
    %scan3A_330 = arith.constant 0 : i32
    %scan3A_331 = arith.constant 40 : i32
    %scan3A_332 = arith.addi %scan3A_330, %scan3A_331 : i32
    %scan3A_333 = arith.constant 1 : i32
    %scan3A_334 = scf.for %scan3A_785 = %scan3A_330 to %scan3A_332 step %scan3A_333 iter_args(%scan3A_786 = %scan3A) -> (i32)  : i32 {
      %mul3A_787 = arith.constant 3 : i32
      %mul3A_788 = arith.muli %scan3A_785, %mul3A_787 : i32
      %add3A_789 = arith.constant 1 : i32
      %add3A_790 = arith.addi %add3A_789, %mul3A_788 : i32
      %add3A_791 = arith.constant 0 : i32
      %add3A_792 = arith.addi %add3A_790, %add3A_791 : i32
      %add3A_793 = arith.constant 2 : i32
      %add3A_794 = arith.addi %add3A_792, %add3A_793 : i32
      %jit3A_795 = arith.constant 3 : i32
      %eq3A = arith.constant 0 : i32
      %eq3A_796 = arith.cmpi eq, %jit3A_795, %eq3A : i32
      %jit3A_797 = arith.constant 1 : i32
      %select_n3A_798 = arith.select %eq3A_796, %jit3A_797, %jit3A_795 : i32
      %rem3A_799 = arith.remsi %add3A_794, %select_n3A_798 : i32
      %ne3A_800 = arith.constant 0 : i32
      %ne3A_801 = arith.cmpi ne, %rem3A_799, %ne3A_800 : i32
      %lt3A = arith.constant 0 : i32
      %lt3A_802 = arith.cmpi slt, %rem3A_799, %lt3A : i32
      %lt3A_803 = arith.constant 0 : i32
      %lt3A_804 = arith.cmpi slt, %select_n3A_798, %lt3A_803 : i32
      %ne3A_805 = arith.xori %lt3A_802, %lt3A_804 : i1
      %and3A_806 = arith.andi %ne3A_805, %ne3A_801 : i1
      %add3A_807 = arith.addi %rem3A_799, %select_n3A_798 : i32
      %select_n3A_808 = arith.select %and3A_806, %add3A_807, %rem3A_799 : i32
      %jit3A_809 = arith.constant 3 : i32
      %eq3A_810 = arith.constant 0 : i32
      %eq3A_811 = arith.cmpi eq, %jit3A_809, %eq3A_810 : i32
      %jit3A_812 = arith.constant 1 : i32
      %select_n3A_813 = arith.select %eq3A_811, %jit3A_812, %jit3A_809 : i32
      %rem3A_814 = arith.remsi %add3A_792, %select_n3A_813 : i32
      %ne3A_815 = arith.constant 0 : i32
      %ne3A_816 = arith.cmpi ne, %rem3A_814, %ne3A_815 : i32
      %lt3A_817 = arith.constant 0 : i32
      %lt3A_818 = arith.cmpi slt, %rem3A_814, %lt3A_817 : i32
      %lt3A_819 = arith.constant 0 : i32
      %lt3A_820 = arith.cmpi slt, %select_n3A_813, %lt3A_819 : i32
      %ne3A_821 = arith.xori %lt3A_818, %lt3A_820 : i1
      %and3A_822 = arith.andi %ne3A_821, %ne3A_816 : i1
      %add3A_823 = arith.addi %rem3A_814, %select_n3A_813 : i32
      %select_n3A_824 = arith.select %and3A_822, %add3A_823, %rem3A_814 : i32
      %add3A_825 = arith.constant 2 : i32
      %add3A_826 = arith.addi %add3A_792, %add3A_825 : i32
      %sub3A_827 = arith.constant 3 : i32
      %sub3A_828 = arith.subi %add3A_826, %sub3A_827 : i32
      %dma_wait3A_829 = arith.constant 1 : i32
      %dma_wait3A_830 = arith.constant 0 : i32
      %dma_wait3A_831 = arith.constant 0 : i32
      %dma_wait3A_832 = tpu.memref_slice %arg7[%select_n3A_808, %dma_wait3A_830, %dma_wait3A_831] : memref<3x80x128xf32, #tpu.memory_space<vmem>> -> memref<1x80x128xf32, #tpu.memory_space<vmem>>
      %dma_wait3A_833 = tpu.memref_squeeze %dma_wait3A_832 : memref<1x80x128xf32, #tpu.memory_space<vmem>> -> memref<80x128xf32, #tpu.memory_space<vmem>>
      %dma_wait3A_834 = arith.constant 0 : i32
      %dma_wait3A_835 = arith.constant 0 : i32
      %dma_wait3A_836 = tpu.memref_slice %arg6[%select_n3A_808, %dma_wait3A_834, %dma_wait3A_835] : memref<3x2x80xi32, #tpu.memory_space<vmem>> -> memref<1x2x80xi32, #tpu.memory_space<vmem>>
      %dma_wait3A_837 = tpu.memref_squeeze %dma_wait3A_836 : memref<1x2x80xi32, #tpu.memory_space<vmem>> -> memref<2x80xi32, #tpu.memory_space<vmem>>
      %dma_wait3A_838 = arith.constant 0 : i32
      %dma_wait3A_839 = tpu.memref_slice %dma_wait3A_837[%dma_wait3A_829, %dma_wait3A_838] : memref<2x80xi32, #tpu.memory_space<vmem>> -> memref<1x80xi32, #tpu.memory_space<vmem>>
      %dma_wait3A_840 = tpu.memref_squeeze %dma_wait3A_839 : memref<1x80xi32, #tpu.memory_space<vmem>> -> memref<80xi32, #tpu.memory_space<vmem>>
      %dma_wait3A_841 = arith.constant 0 : i32
      %dma_wait3A_842 = arith.constant 0 : i32
      %dma_wait3A_843 = tpu.memref_slice %arg8[%dma_wait3A_841, %dma_wait3A_842] : memref<10000x128xf32, #tpu.memory_space<vmem_shared>> -> memref<10000x128xf32, #tpu.memory_space<vmem_shared>>
      %dma_wait3A_844 = tpu.memref_slice %arg11[%select_n3A_808] : memref<3x!tpu.dma_semaphore, #tpu.memory_space<semaphore_mem>> -> memref<1x!tpu.dma_semaphore, #tpu.memory_space<semaphore_mem>>
      %dma_wait3A_845 = tpu.memref_squeeze %dma_wait3A_844 : memref<1x!tpu.dma_semaphore, #tpu.memory_space<semaphore_mem>> -> memref<!tpu.dma_semaphore, #tpu.memory_space<semaphore_mem>>
      tpu.wait_indirect_dma semaphore(%dma_wait3A_845 : memref<!tpu.dma_semaphore, #tpu.memory_space<semaphore_mem>>) src(%dma_wait3A_833 : memref<80x128xf32, #tpu.memory_space<vmem>>) dst(%dma_wait3A_843 : memref<10000x128xf32, #tpu.memory_space<vmem_shared>>)
      %add3A_846 = arith.constant 2 : i32
      %add3A_847 = arith.addi %add3A_792, %add3A_846 : i32
      %dma_start3A_848 = arith.constant 0 : i32
      %dma_start3A_849 = arith.constant 0 : i32
      %dma_start3A_850 = tpu.memref_slice %arg6[%select_n3A_808, %dma_start3A_848, %dma_start3A_849] : memref<3x2x80xi32, #tpu.memory_space<vmem>> -> memref<1x2x80xi32, #tpu.memory_space<vmem>>
      %dma_start3A_851 = tpu.memref_squeeze %dma_start3A_850 : memref<1x2x80xi32, #tpu.memory_space<vmem>> -> memref<2x80xi32, #tpu.memory_space<vmem>>
      %dma_start3A_852 = arith.constant 0 : i32
      %dma_start3A_853 = arith.constant 0 : i32
      %dma_start3A_854 = arith.constant 0 : i32
      %dma_start3A_855 = tpu.memref_slice %arg2[%add3A, %dma_start3A_852, %dma_start3A_853, %dma_start3A_854] : memref<32x125x2x80xi32, #tpu.memory_space<hbm>> -> memref<1x125x2x80xi32, #tpu.memory_space<hbm>>
      %dma_start3A_856 = tpu.memref_squeeze %dma_start3A_855 : memref<1x125x2x80xi32, #tpu.memory_space<hbm>> -> memref<125x2x80xi32, #tpu.memory_space<hbm>>
      %dma_start3A_857 = arith.constant 0 : i32
      %dma_start3A_858 = arith.constant 0 : i32
      %dma_start3A_859 = tpu.memref_slice %dma_start3A_856[%add3A_847, %dma_start3A_857, %dma_start3A_858] : memref<125x2x80xi32, #tpu.memory_space<hbm>> -> memref<1x2x80xi32, #tpu.memory_space<hbm>>
      %dma_start3A_860 = tpu.memref_squeeze %dma_start3A_859 : memref<1x2x80xi32, #tpu.memory_space<hbm>> -> memref<2x80xi32, #tpu.memory_space<hbm>>
      %dma_start3A_861 = tpu.memref_slice %arg9[%select_n3A_808] : memref<3x!tpu.dma_semaphore, #tpu.memory_space<semaphore_mem>> -> memref<1x!tpu.dma_semaphore, #tpu.memory_space<semaphore_mem>>
      %dma_start3A_862 = tpu.memref_squeeze %dma_start3A_861 : memref<1x!tpu.dma_semaphore, #tpu.memory_space<semaphore_mem>> -> memref<!tpu.dma_semaphore, #tpu.memory_space<semaphore_mem>>
      %dma_start3A_863 = arith.constant 0 : i32
      %dma_start3A_864 = arith.constant 0 : i32
      %dma_start3A_865 = tpu.memref_slice %arg6[%select_n3A_808, %dma_start3A_863, %dma_start3A_864] : memref<3x2x80xi32, #tpu.memory_space<vmem>> -> memref<1x2x80xi32, #tpu.memory_space<vmem>>
      %dma_start3A_866 = tpu.memref_squeeze %dma_start3A_865 : memref<1x2x80xi32, #tpu.memory_space<vmem>> -> memref<2x80xi32, #tpu.memory_space<vmem>>
      %dma_start3A_867 = arith.constant 0 : i32
      %dma_start3A_868 = arith.constant 0 : i32
      %dma_start3A_869 = arith.constant 0 : i32
      %dma_start3A_870 = tpu.memref_slice %arg2[%add3A, %dma_start3A_867, %dma_start3A_868, %dma_start3A_869] : memref<32x125x2x80xi32, #tpu.memory_space<hbm>> -> memref<1x125x2x80xi32, #tpu.memory_space<hbm>>
      %dma_start3A_871 = tpu.memref_squeeze %dma_start3A_870 : memref<1x125x2x80xi32, #tpu.memory_space<hbm>> -> memref<125x2x80xi32, #tpu.memory_space<hbm>>
      %dma_start3A_872 = arith.constant 0 : i32
      %dma_start3A_873 = arith.constant 0 : i32
      %dma_start3A_874 = tpu.memref_slice %dma_start3A_871[%add3A_847, %dma_start3A_872, %dma_start3A_873] : memref<125x2x80xi32, #tpu.memory_space<hbm>> -> memref<1x2x80xi32, #tpu.memory_space<hbm>>
      %dma_start3A_875 = tpu.memref_squeeze %dma_start3A_874 : memref<1x2x80xi32, #tpu.memory_space<hbm>> -> memref<2x80xi32, #tpu.memory_space<hbm>>
      tpu.enqueue_dma source(%dma_start3A_875 : memref<2x80xi32, #tpu.memory_space<hbm>>) target(%dma_start3A_866 : memref<2x80xi32, #tpu.memory_space<vmem>>) target_semaphore(%dma_start3A_862 : memref<!tpu.dma_semaphore, #tpu.memory_space<semaphore_mem>>)
      %dma_wait3A_876 = arith.constant 0 : i32
      %dma_wait3A_877 = arith.constant 0 : i32
      %dma_wait3A_878 = arith.constant 0 : i32
      %dma_wait3A_879 = tpu.memref_slice %arg7[%select_n3A_824, %dma_wait3A_877, %dma_wait3A_878] : memref<3x80x128xf32, #tpu.memory_space<vmem>> -> memref<1x80x128xf32, #tpu.memory_space<vmem>>
      %dma_wait3A_880 = tpu.memref_squeeze %dma_wait3A_879 : memref<1x80x128xf32, #tpu.memory_space<vmem>> -> memref<80x128xf32, #tpu.memory_space<vmem>>
      %dma_wait3A_881 = arith.constant 0 : i32
      %dma_wait3A_882 = arith.constant 0 : i32
      %dma_wait3A_883 = tpu.memref_slice %arg6[%select_n3A_824, %dma_wait3A_881, %dma_wait3A_882] : memref<3x2x80xi32, #tpu.memory_space<vmem>> -> memref<1x2x80xi32, #tpu.memory_space<vmem>>
      %dma_wait3A_884 = tpu.memref_squeeze %dma_wait3A_883 : memref<1x2x80xi32, #tpu.memory_space<vmem>> -> memref<2x80xi32, #tpu.memory_space<vmem>>
      %dma_wait3A_885 = arith.constant 0 : i32
      %dma_wait3A_886 = tpu.memref_slice %dma_wait3A_884[%dma_wait3A_876, %dma_wait3A_885] : memref<2x80xi32, #tpu.memory_space<vmem>> -> memref<1x80xi32, #tpu.memory_space<vmem>>
      %dma_wait3A_887 = tpu.memref_squeeze %dma_wait3A_886 : memref<1x80xi32, #tpu.memory_space<vmem>> -> memref<80xi32, #tpu.memory_space<vmem>>
      %dma_wait3A_888 = arith.constant 0 : i32
      %dma_wait3A_889 = arith.constant 0 : i32
      %dma_wait3A_890 = tpu.memref_slice %arg3[%dma_wait3A_888, %dma_wait3A_889] : memref<10000x128xf32, #tpu.memory_space<hbm>> -> memref<10000x128xf32, #tpu.memory_space<hbm>>
      %dma_wait3A_891 = tpu.memref_slice %arg10[%select_n3A_824] : memref<3x!tpu.dma_semaphore, #tpu.memory_space<semaphore_mem>> -> memref<1x!tpu.dma_semaphore, #tpu.memory_space<semaphore_mem>>
      %dma_wait3A_892 = tpu.memref_squeeze %dma_wait3A_891 : memref<1x!tpu.dma_semaphore, #tpu.memory_space<semaphore_mem>> -> memref<!tpu.dma_semaphore, #tpu.memory_space<semaphore_mem>>
      tpu.wait_indirect_dma semaphore(%dma_wait3A_892 : memref<!tpu.dma_semaphore, #tpu.memory_space<semaphore_mem>>) src(%dma_wait3A_890 : memref<10000x128xf32, #tpu.memory_space<hbm>>) dst(%dma_wait3A_880 : memref<80x128xf32, #tpu.memory_space<vmem>>)
      %dma_start3A_893 = arith.constant 1 : i32
      %dma_start3A_894 = arith.constant 0 : i32
      %dma_start3A_895 = arith.constant 0 : i32
      %dma_start3A_896 = tpu.memref_slice %arg7[%select_n3A_824, %dma_start3A_894, %dma_start3A_895] : memref<3x80x128xf32, #tpu.memory_space<vmem>> -> memref<1x80x128xf32, #tpu.memory_space<vmem>>
      %dma_start3A_897 = tpu.memref_squeeze %dma_start3A_896 : memref<1x80x128xf32, #tpu.memory_space<vmem>> -> memref<80x128xf32, #tpu.memory_space<vmem>>
      %dma_start3A_898 = arith.constant 0 : i32
      %dma_start3A_899 = arith.constant 0 : i32
      %dma_start3A_900 = tpu.memref_slice %arg6[%select_n3A_824, %dma_start3A_898, %dma_start3A_899] : memref<3x2x80xi32, #tpu.memory_space<vmem>> -> memref<1x2x80xi32, #tpu.memory_space<vmem>>
      %dma_start3A_901 = tpu.memref_squeeze %dma_start3A_900 : memref<1x2x80xi32, #tpu.memory_space<vmem>> -> memref<2x80xi32, #tpu.memory_space<vmem>>
      %dma_start3A_902 = arith.constant 0 : i32
      %dma_start3A_903 = tpu.memref_slice %dma_start3A_901[%dma_start3A_893, %dma_start3A_902] : memref<2x80xi32, #tpu.memory_space<vmem>> -> memref<1x80xi32, #tpu.memory_space<vmem>>
      %dma_start3A_904 = tpu.memref_squeeze %dma_start3A_903 : memref<1x80xi32, #tpu.memory_space<vmem>> -> memref<80xi32, #tpu.memory_space<vmem>>
      %dma_start3A_905 = arith.constant 0 : i32
      %dma_start3A_906 = arith.constant 0 : i32
      %dma_start3A_907 = tpu.memref_slice %arg8[%dma_start3A_905, %dma_start3A_906] : memref<10000x128xf32, #tpu.memory_space<vmem_shared>> -> memref<10000x128xf32, #tpu.memory_space<vmem_shared>>
      %dma_start3A_908 = tpu.memref_slice %arg11[%select_n3A_824] : memref<3x!tpu.dma_semaphore, #tpu.memory_space<semaphore_mem>> -> memref<1x!tpu.dma_semaphore, #tpu.memory_space<semaphore_mem>>
      %dma_start3A_909 = tpu.memref_squeeze %dma_start3A_908 : memref<1x!tpu.dma_semaphore, #tpu.memory_space<semaphore_mem>> -> memref<!tpu.dma_semaphore, #tpu.memory_space<semaphore_mem>>
      tpu.enqueue_indirect_dma source(%dma_start3A_897 : memref<80x128xf32, #tpu.memory_space<vmem>>) target(%dma_start3A_907 : memref<10000x128xf32, #tpu.memory_space<vmem_shared>>) offsets(%dma_start3A_904 : memref<80xi32, #tpu.memory_space<vmem>>) semaphore(%dma_start3A_909 : memref<!tpu.dma_semaphore, #tpu.memory_space<semaphore_mem>>) {add = true}
      %add3A_910 = arith.constant 2 : i32
      %add3A_911 = arith.addi %add3A_792, %add3A_910 : i32
      %dma_wait3A_912 = arith.constant 0 : i32
      %dma_wait3A_913 = arith.constant 0 : i32
      %dma_wait3A_914 = tpu.memref_slice %arg6[%select_n3A_808, %dma_wait3A_912, %dma_wait3A_913] : memref<3x2x80xi32, #tpu.memory_space<vmem>> -> memref<1x2x80xi32, #tpu.memory_space<vmem>>
      %dma_wait3A_915 = tpu.memref_squeeze %dma_wait3A_914 : memref<1x2x80xi32, #tpu.memory_space<vmem>> -> memref<2x80xi32, #tpu.memory_space<vmem>>
      %dma_wait3A_916 = arith.constant 0 : i32
      %dma_wait3A_917 = arith.constant 0 : i32
      %dma_wait3A_918 = arith.constant 0 : i32
      %dma_wait3A_919 = tpu.memref_slice %arg2[%add3A, %dma_wait3A_916, %dma_wait3A_917, %dma_wait3A_918] : memref<32x125x2x80xi32, #tpu.memory_space<hbm>> -> memref<1x125x2x80xi32, #tpu.memory_space<hbm>>
      %dma_wait3A_920 = tpu.memref_squeeze %dma_wait3A_919 : memref<1x125x2x80xi32, #tpu.memory_space<hbm>> -> memref<125x2x80xi32, #tpu.memory_space<hbm>>
      %dma_wait3A_921 = arith.constant 0 : i32
      %dma_wait3A_922 = arith.constant 0 : i32
      %dma_wait3A_923 = tpu.memref_slice %dma_wait3A_920[%add3A_911, %dma_wait3A_921, %dma_wait3A_922] : memref<125x2x80xi32, #tpu.memory_space<hbm>> -> memref<1x2x80xi32, #tpu.memory_space<hbm>>
      %dma_wait3A_924 = tpu.memref_squeeze %dma_wait3A_923 : memref<1x2x80xi32, #tpu.memory_space<hbm>> -> memref<2x80xi32, #tpu.memory_space<hbm>>
      %dma_wait3A_925 = tpu.memref_slice %arg9[%select_n3A_808] : memref<3x!tpu.dma_semaphore, #tpu.memory_space<semaphore_mem>> -> memref<1x!tpu.dma_semaphore, #tpu.memory_space<semaphore_mem>>
      %dma_wait3A_926 = tpu.memref_squeeze %dma_wait3A_925 : memref<1x!tpu.dma_semaphore, #tpu.memory_space<semaphore_mem>> -> memref<!tpu.dma_semaphore, #tpu.memory_space<semaphore_mem>>
      %dma_wait3A_927 = arith.constant 0 : i32
      %dma_wait3A_928 = arith.constant 0 : i32
      %dma_wait3A_929 = tpu.memref_slice %arg6[%select_n3A_808, %dma_wait3A_927, %dma_wait3A_928] : memref<3x2x80xi32, #tpu.memory_space<vmem>> -> memref<1x2x80xi32, #tpu.memory_space<vmem>>
      %dma_wait3A_930 = tpu.memref_squeeze %dma_wait3A_929 : memref<1x2x80xi32, #tpu.memory_space<vmem>> -> memref<2x80xi32, #tpu.memory_space<vmem>>
      %dma_wait3A_931 = arith.constant 0 : i32
      %dma_wait3A_932 = arith.constant 0 : i32
      %dma_wait3A_933 = arith.constant 0 : i32
      %dma_wait3A_934 = tpu.memref_slice %arg2[%add3A, %dma_wait3A_931, %dma_wait3A_932, %dma_wait3A_933] : memref<32x125x2x80xi32, #tpu.memory_space<hbm>> -> memref<1x125x2x80xi32, #tpu.memory_space<hbm>>
      %dma_wait3A_935 = tpu.memref_squeeze %dma_wait3A_934 : memref<1x125x2x80xi32, #tpu.memory_space<hbm>> -> memref<125x2x80xi32, #tpu.memory_space<hbm>>
      %dma_wait3A_936 = arith.constant 0 : i32
      %dma_wait3A_937 = arith.constant 0 : i32
      %dma_wait3A_938 = tpu.memref_slice %dma_wait3A_935[%add3A_911, %dma_wait3A_936, %dma_wait3A_937] : memref<125x2x80xi32, #tpu.memory_space<hbm>> -> memref<1x2x80xi32, #tpu.memory_space<hbm>>
      %dma_wait3A_939 = tpu.memref_squeeze %dma_wait3A_938 : memref<1x2x80xi32, #tpu.memory_space<hbm>> -> memref<2x80xi32, #tpu.memory_space<hbm>>
      tpu.wait_dma2 semaphore(%dma_wait3A_926 : memref<!tpu.dma_semaphore, #tpu.memory_space<semaphore_mem>>) src(%dma_wait3A_939 : memref<2x80xi32, #tpu.memory_space<hbm>>) dst(%dma_wait3A_930 : memref<2x80xi32, #tpu.memory_space<vmem>>)
      %add3A_940 = arith.constant 2 : i32
      %add3A_941 = arith.addi %add3A_792, %add3A_940 : i32
      %dma_start3A_942 = arith.constant 0 : i32
      %dma_start3A_943 = arith.constant 0 : i32
      %dma_start3A_944 = arith.constant 0 : i32
      %dma_start3A_945 = tpu.memref_slice %arg7[%select_n3A_808, %dma_start3A_943, %dma_start3A_944] : memref<3x80x128xf32, #tpu.memory_space<vmem>> -> memref<1x80x128xf32, #tpu.memory_space<vmem>>
      %dma_start3A_946 = tpu.memref_squeeze %dma_start3A_945 : memref<1x80x128xf32, #tpu.memory_space<vmem>> -> memref<80x128xf32, #tpu.memory_space<vmem>>
      %dma_start3A_947 = arith.constant 0 : i32
      %dma_start3A_948 = arith.constant 0 : i32
      %dma_start3A_949 = tpu.memref_slice %arg6[%select_n3A_808, %dma_start3A_947, %dma_start3A_948] : memref<3x2x80xi32, #tpu.memory_space<vmem>> -> memref<1x2x80xi32, #tpu.memory_space<vmem>>
      %dma_start3A_950 = tpu.memref_squeeze %dma_start3A_949 : memref<1x2x80xi32, #tpu.memory_space<vmem>> -> memref<2x80xi32, #tpu.memory_space<vmem>>
      %dma_start3A_951 = arith.constant 0 : i32
      %dma_start3A_952 = tpu.memref_slice %dma_start3A_950[%dma_start3A_942, %dma_start3A_951] : memref<2x80xi32, #tpu.memory_space<vmem>> -> memref<1x80xi32, #tpu.memory_space<vmem>>
      %dma_start3A_953 = tpu.memref_squeeze %dma_start3A_952 : memref<1x80xi32, #tpu.memory_space<vmem>> -> memref<80xi32, #tpu.memory_space<vmem>>
      %dma_start3A_954 = arith.constant 0 : i32
      %dma_start3A_955 = arith.constant 0 : i32
      %dma_start3A_956 = tpu.memref_slice %arg3[%dma_start3A_954, %dma_start3A_955] : memref<10000x128xf32, #tpu.memory_space<hbm>> -> memref<10000x128xf32, #tpu.memory_space<hbm>>
      %dma_start3A_957 = tpu.memref_slice %arg10[%select_n3A_808] : memref<3x!tpu.dma_semaphore, #tpu.memory_space<semaphore_mem>> -> memref<1x!tpu.dma_semaphore, #tpu.memory_space<semaphore_mem>>
      %dma_start3A_958 = tpu.memref_squeeze %dma_start3A_957 : memref<1x!tpu.dma_semaphore, #tpu.memory_space<semaphore_mem>> -> memref<!tpu.dma_semaphore, #tpu.memory_space<semaphore_mem>>
      tpu.enqueue_indirect_dma source(%dma_start3A_956 : memref<10000x128xf32, #tpu.memory_space<hbm>>) target(%dma_start3A_946 : memref<80x128xf32, #tpu.memory_space<vmem>>) offsets(%dma_start3A_953 : memref<80xi32, #tpu.memory_space<vmem>>) semaphore(%dma_start3A_958 : memref<!tpu.dma_semaphore, #tpu.memory_space<semaphore_mem>>)
      %mul3A_959 = arith.constant 3 : i32
      %mul3A_960 = arith.muli %scan3A_785, %mul3A_959 : i32
      %add3A_961 = arith.constant 1 : i32
      %add3A_962 = arith.addi %add3A_961, %mul3A_960 : i32
      %add3A_963 = arith.constant 1 : i32
      %add3A_964 = arith.addi %add3A_962, %add3A_963 : i32
      %add3A_965 = arith.constant 2 : i32
      %add3A_966 = arith.addi %add3A_964, %add3A_965 : i32
      %jit3A_967 = arith.constant 3 : i32
      %eq3A_968 = arith.constant 0 : i32
      %eq3A_969 = arith.cmpi eq, %jit3A_967, %eq3A_968 : i32
      %jit3A_970 = arith.constant 1 : i32
      %select_n3A_971 = arith.select %eq3A_969, %jit3A_970, %jit3A_967 : i32
      %rem3A_972 = arith.remsi %add3A_966, %select_n3A_971 : i32
      %ne3A_973 = arith.constant 0 : i32
      %ne3A_974 = arith.cmpi ne, %rem3A_972, %ne3A_973 : i32
      %lt3A_975 = arith.constant 0 : i32
      %lt3A_976 = arith.cmpi slt, %rem3A_972, %lt3A_975 : i32
      %lt3A_977 = arith.constant 0 : i32
      %lt3A_978 = arith.cmpi slt, %select_n3A_971, %lt3A_977 : i32
      %ne3A_979 = arith.xori %lt3A_976, %lt3A_978 : i1
      %and3A_980 = arith.andi %ne3A_979, %ne3A_974 : i1
      %add3A_981 = arith.addi %rem3A_972, %select_n3A_971 : i32
      %select_n3A_982 = arith.select %and3A_980, %add3A_981, %rem3A_972 : i32
      %jit3A_983 = arith.constant 3 : i32
      %eq3A_984 = arith.constant 0 : i32
      %eq3A_985 = arith.cmpi eq, %jit3A_983, %eq3A_984 : i32
      %jit3A_986 = arith.constant 1 : i32
      %select_n3A_987 = arith.select %eq3A_985, %jit3A_986, %jit3A_983 : i32
      %rem3A_988 = arith.remsi %add3A_964, %select_n3A_987 : i32
      %ne3A_989 = arith.constant 0 : i32
      %ne3A_990 = arith.cmpi ne, %rem3A_988, %ne3A_989 : i32
      %lt3A_991 = arith.constant 0 : i32
      %lt3A_992 = arith.cmpi slt, %rem3A_988, %lt3A_991 : i32
      %lt3A_993 = arith.constant 0 : i32
      %lt3A_994 = arith.cmpi slt, %select_n3A_987, %lt3A_993 : i32
      %ne3A_995 = arith.xori %lt3A_992, %lt3A_994 : i1
      %and3A_996 = arith.andi %ne3A_995, %ne3A_990 : i1
      %add3A_997 = arith.addi %rem3A_988, %select_n3A_987 : i32
      %select_n3A_998 = arith.select %and3A_996, %add3A_997, %rem3A_988 : i32
      %add3A_999 = arith.constant 2 : i32
      %add3A_1000 = arith.addi %add3A_964, %add3A_999 : i32
      %sub3A_1001 = arith.constant 3 : i32
      %sub3A_1002 = arith.subi %add3A_1000, %sub3A_1001 : i32
      %dma_wait3A_1003 = arith.constant 1 : i32
      %dma_wait3A_1004 = arith.constant 0 : i32
      %dma_wait3A_1005 = arith.constant 0 : i32
      %dma_wait3A_1006 = tpu.memref_slice %arg7[%select_n3A_982, %dma_wait3A_1004, %dma_wait3A_1005] : memref<3x80x128xf32, #tpu.memory_space<vmem>> -> memref<1x80x128xf32, #tpu.memory_space<vmem>>
      %dma_wait3A_1007 = tpu.memref_squeeze %dma_wait3A_1006 : memref<1x80x128xf32, #tpu.memory_space<vmem>> -> memref<80x128xf32, #tpu.memory_space<vmem>>
      %dma_wait3A_1008 = arith.constant 0 : i32
      %dma_wait3A_1009 = arith.constant 0 : i32
      %dma_wait3A_1010 = tpu.memref_slice %arg6[%select_n3A_982, %dma_wait3A_1008, %dma_wait3A_1009] : memref<3x2x80xi32, #tpu.memory_space<vmem>> -> memref<1x2x80xi32, #tpu.memory_space<vmem>>
      %dma_wait3A_1011 = tpu.memref_squeeze %dma_wait3A_1010 : memref<1x2x80xi32, #tpu.memory_space<vmem>> -> memref<2x80xi32, #tpu.memory_space<vmem>>
      %dma_wait3A_1012 = arith.constant 0 : i32
      %dma_wait3A_1013 = tpu.memref_slice %dma_wait3A_1011[%dma_wait3A_1003, %dma_wait3A_1012] : memref<2x80xi32, #tpu.memory_space<vmem>> -> memref<1x80xi32, #tpu.memory_space<vmem>>
      %dma_wait3A_1014 = tpu.memref_squeeze %dma_wait3A_1013 : memref<1x80xi32, #tpu.memory_space<vmem>> -> memref<80xi32, #tpu.memory_space<vmem>>
      %dma_wait3A_1015 = arith.constant 0 : i32
      %dma_wait3A_1016 = arith.constant 0 : i32
      %dma_wait3A_1017 = tpu.memref_slice %arg8[%dma_wait3A_1015, %dma_wait3A_1016] : memref<10000x128xf32, #tpu.memory_space<vmem_shared>> -> memref<10000x128xf32, #tpu.memory_space<vmem_shared>>
      %dma_wait3A_1018 = tpu.memref_slice %arg11[%select_n3A_982] : memref<3x!tpu.dma_semaphore, #tpu.memory_space<semaphore_mem>> -> memref<1x!tpu.dma_semaphore, #tpu.memory_space<semaphore_mem>>
      %dma_wait3A_1019 = tpu.memref_squeeze %dma_wait3A_1018 : memref<1x!tpu.dma_semaphore, #tpu.memory_space<semaphore_mem>> -> memref<!tpu.dma_semaphore, #tpu.memory_space<semaphore_mem>>
      tpu.wait_indirect_dma semaphore(%dma_wait3A_1019 : memref<!tpu.dma_semaphore, #tpu.memory_space<semaphore_mem>>) src(%dma_wait3A_1007 : memref<80x128xf32, #tpu.memory_space<vmem>>) dst(%dma_wait3A_1017 : memref<10000x128xf32, #tpu.memory_space<vmem_shared>>)
      %add3A_1020 = arith.constant 2 : i32
      %add3A_1021 = arith.addi %add3A_964, %add3A_1020 : i32
      %dma_start3A_1022 = arith.constant 0 : i32
      %dma_start3A_1023 = arith.constant 0 : i32
      %dma_start3A_1024 = tpu.memref_slice %arg6[%select_n3A_982, %dma_start3A_1022, %dma_start3A_1023] : memref<3x2x80xi32, #tpu.memory_space<vmem>> -> memref<1x2x80xi32, #tpu.memory_space<vmem>>
      %dma_start3A_1025 = tpu.memref_squeeze %dma_start3A_1024 : memref<1x2x80xi32, #tpu.memory_space<vmem>> -> memref<2x80xi32, #tpu.memory_space<vmem>>
      %dma_start3A_1026 = arith.constant 0 : i32
      %dma_start3A_1027 = arith.constant 0 : i32
      %dma_start3A_1028 = arith.constant 0 : i32
      %dma_start3A_1029 = tpu.memref_slice %arg2[%add3A, %dma_start3A_1026, %dma_start3A_1027, %dma_start3A_1028] : memref<32x125x2x80xi32, #tpu.memory_space<hbm>> -> memref<1x125x2x80xi32, #tpu.memory_space<hbm>>
      %dma_start3A_1030 = tpu.memref_squeeze %dma_start3A_1029 : memref<1x125x2x80xi32, #tpu.memory_space<hbm>> -> memref<125x2x80xi32, #tpu.memory_space<hbm>>
      %dma_start3A_1031 = arith.constant 0 : i32
      %dma_start3A_1032 = arith.constant 0 : i32
      %dma_start3A_1033 = tpu.memref_slice %dma_start3A_1030[%add3A_1021, %dma_start3A_1031, %dma_start3A_1032] : memref<125x2x80xi32, #tpu.memory_space<hbm>> -> memref<1x2x80xi32, #tpu.memory_space<hbm>>
      %dma_start3A_1034 = tpu.memref_squeeze %dma_start3A_1033 : memref<1x2x80xi32, #tpu.memory_space<hbm>> -> memref<2x80xi32, #tpu.memory_space<hbm>>
      %dma_start3A_1035 = tpu.memref_slice %arg9[%select_n3A_982] : memref<3x!tpu.dma_semaphore, #tpu.memory_space<semaphore_mem>> -> memref<1x!tpu.dma_semaphore, #tpu.memory_space<semaphore_mem>>
      %dma_start3A_1036 = tpu.memref_squeeze %dma_start3A_1035 : memref<1x!tpu.dma_semaphore, #tpu.memory_space<semaphore_mem>> -> memref<!tpu.dma_semaphore, #tpu.memory_space<semaphore_mem>>
      %dma_start3A_1037 = arith.constant 0 : i32
      %dma_start3A_1038 = arith.constant 0 : i32
      %dma_start3A_1039 = tpu.memref_slice %arg6[%select_n3A_982, %dma_start3A_1037, %dma_start3A_1038] : memref<3x2x80xi32, #tpu.memory_space<vmem>> -> memref<1x2x80xi32, #tpu.memory_space<vmem>>
      %dma_start3A_1040 = tpu.memref_squeeze %dma_start3A_1039 : memref<1x2x80xi32, #tpu.memory_space<vmem>> -> memref<2x80xi32, #tpu.memory_space<vmem>>
      %dma_start3A_1041 = arith.constant 0 : i32
      %dma_start3A_1042 = arith.constant 0 : i32
      %dma_start3A_1043 = arith.constant 0 : i32
      %dma_start3A_1044 = tpu.memref_slice %arg2[%add3A, %dma_start3A_1041, %dma_start3A_1042, %dma_start3A_1043] : memref<32x125x2x80xi32, #tpu.memory_space<hbm>> -> memref<1x125x2x80xi32, #tpu.memory_space<hbm>>
      %dma_start3A_1045 = tpu.memref_squeeze %dma_start3A_1044 : memref<1x125x2x80xi32, #tpu.memory_space<hbm>> -> memref<125x2x80xi32, #tpu.memory_space<hbm>>
      %dma_start3A_1046 = arith.constant 0 : i32
      %dma_start3A_1047 = arith.constant 0 : i32
      %dma_start3A_1048 = tpu.memref_slice %dma_start3A_1045[%add3A_1021, %dma_start3A_1046, %dma_start3A_1047] : memref<125x2x80xi32, #tpu.memory_space<hbm>> -> memref<1x2x80xi32, #tpu.memory_space<hbm>>
      %dma_start3A_1049 = tpu.memref_squeeze %dma_start3A_1048 : memref<1x2x80xi32, #tpu.memory_space<hbm>> -> memref<2x80xi32, #tpu.memory_space<hbm>>
      tpu.enqueue_dma source(%dma_start3A_1049 : memref<2x80xi32, #tpu.memory_space<hbm>>) target(%dma_start3A_1040 : memref<2x80xi32, #tpu.memory_space<vmem>>) target_semaphore(%dma_start3A_1036 : memref<!tpu.dma_semaphore, #tpu.memory_space<semaphore_mem>>)
      %dma_wait3A_1050 = arith.constant 0 : i32
      %dma_wait3A_1051 = arith.constant 0 : i32
      %dma_wait3A_1052 = arith.constant 0 : i32
      %dma_wait3A_1053 = tpu.memref_slice %arg7[%select_n3A_998, %dma_wait3A_1051, %dma_wait3A_1052] : memref<3x80x128xf32, #tpu.memory_space<vmem>> -> memref<1x80x128xf32, #tpu.memory_space<vmem>>
      %dma_wait3A_1054 = tpu.memref_squeeze %dma_wait3A_1053 : memref<1x80x128xf32, #tpu.memory_space<vmem>> -> memref<80x128xf32, #tpu.memory_space<vmem>>
      %dma_wait3A_1055 = arith.constant 0 : i32
      %dma_wait3A_1056 = arith.constant 0 : i32
      %dma_wait3A_1057 = tpu.memref_slice %arg6[%select_n3A_998, %dma_wait3A_1055, %dma_wait3A_1056] : memref<3x2x80xi32, #tpu.memory_space<vmem>> -> memref<1x2x80xi32, #tpu.memory_space<vmem>>
      %dma_wait3A_1058 = tpu.memref_squeeze %dma_wait3A_1057 : memref<1x2x80xi32, #tpu.memory_space<vmem>> -> memref<2x80xi32, #tpu.memory_space<vmem>>
      %dma_wait3A_1059 = arith.constant 0 : i32
      %dma_wait3A_1060 = tpu.memref_slice %dma_wait3A_1058[%dma_wait3A_1050, %dma_wait3A_1059] : memref<2x80xi32, #tpu.memory_space<vmem>> -> memref<1x80xi32, #tpu.memory_space<vmem>>
      %dma_wait3A_1061 = tpu.memref_squeeze %dma_wait3A_1060 : memref<1x80xi32, #tpu.memory_space<vmem>> -> memref<80xi32, #tpu.memory_space<vmem>>
      %dma_wait3A_1062 = arith.constant 0 : i32
      %dma_wait3A_1063 = arith.constant 0 : i32
      %dma_wait3A_1064 = tpu.memref_slice %arg3[%dma_wait3A_1062, %dma_wait3A_1063] : memref<10000x128xf32, #tpu.memory_space<hbm>> -> memref<10000x128xf32, #tpu.memory_space<hbm>>
      %dma_wait3A_1065 = tpu.memref_slice %arg10[%select_n3A_998] : memref<3x!tpu.dma_semaphore, #tpu.memory_space<semaphore_mem>> -> memref<1x!tpu.dma_semaphore, #tpu.memory_space<semaphore_mem>>
      %dma_wait3A_1066 = tpu.memref_squeeze %dma_wait3A_1065 : memref<1x!tpu.dma_semaphore, #tpu.memory_space<semaphore_mem>> -> memref<!tpu.dma_semaphore, #tpu.memory_space<semaphore_mem>>
      tpu.wait_indirect_dma semaphore(%dma_wait3A_1066 : memref<!tpu.dma_semaphore, #tpu.memory_space<semaphore_mem>>) src(%dma_wait3A_1064 : memref<10000x128xf32, #tpu.memory_space<hbm>>) dst(%dma_wait3A_1054 : memref<80x128xf32, #tpu.memory_space<vmem>>)
      %dma_start3A_1067 = arith.constant 1 : i32
      %dma_start3A_1068 = arith.constant 0 : i32
      %dma_start3A_1069 = arith.constant 0 : i32
      %dma_start3A_1070 = tpu.memref_slice %arg7[%select_n3A_998, %dma_start3A_1068, %dma_start3A_1069] : memref<3x80x128xf32, #tpu.memory_space<vmem>> -> memref<1x80x128xf32, #tpu.memory_space<vmem>>
      %dma_start3A_1071 = tpu.memref_squeeze %dma_start3A_1070 : memref<1x80x128xf32, #tpu.memory_space<vmem>> -> memref<80x128xf32, #tpu.memory_space<vmem>>
      %dma_start3A_1072 = arith.constant 0 : i32
      %dma_start3A_1073 = arith.constant 0 : i32
      %dma_start3A_1074 = tpu.memref_slice %arg6[%select_n3A_998, %dma_start3A_1072, %dma_start3A_1073] : memref<3x2x80xi32, #tpu.memory_space<vmem>> -> memref<1x2x80xi32, #tpu.memory_space<vmem>>
      %dma_start3A_1075 = tpu.memref_squeeze %dma_start3A_1074 : memref<1x2x80xi32, #tpu.memory_space<vmem>> -> memref<2x80xi32, #tpu.memory_space<vmem>>
      %dma_start3A_1076 = arith.constant 0 : i32
      %dma_start3A_1077 = tpu.memref_slice %dma_start3A_1075[%dma_start3A_1067, %dma_start3A_1076] : memref<2x80xi32, #tpu.memory_space<vmem>> -> memref<1x80xi32, #tpu.memory_space<vmem>>
      %dma_start3A_1078 = tpu.memref_squeeze %dma_start3A_1077 : memref<1x80xi32, #tpu.memory_space<vmem>> -> memref<80xi32, #tpu.memory_space<vmem>>
      %dma_start3A_1079 = arith.constant 0 : i32
      %dma_start3A_1080 = arith.constant 0 : i32
      %dma_start3A_1081 = tpu.memref_slice %arg8[%dma_start3A_1079, %dma_start3A_1080] : memref<10000x128xf32, #tpu.memory_space<vmem_shared>> -> memref<10000x128xf32, #tpu.memory_space<vmem_shared>>
      %dma_start3A_1082 = tpu.memref_slice %arg11[%select_n3A_998] : memref<3x!tpu.dma_semaphore, #tpu.memory_space<semaphore_mem>> -> memref<1x!tpu.dma_semaphore, #tpu.memory_space<semaphore_mem>>
      %dma_start3A_1083 = tpu.memref_squeeze %dma_start3A_1082 : memref<1x!tpu.dma_semaphore, #tpu.memory_space<semaphore_mem>> -> memref<!tpu.dma_semaphore, #tpu.memory_space<semaphore_mem>>
      tpu.enqueue_indirect_dma source(%dma_start3A_1071 : memref<80x128xf32, #tpu.memory_space<vmem>>) target(%dma_start3A_1081 : memref<10000x128xf32, #tpu.memory_space<vmem_shared>>) offsets(%dma_start3A_1078 : memref<80xi32, #tpu.memory_space<vmem>>) semaphore(%dma_start3A_1083 : memref<!tpu.dma_semaphore, #tpu.memory_space<semaphore_mem>>) {add = true}
      %add3A_1084 = arith.constant 2 : i32
      %add3A_1085 = arith.addi %add3A_964, %add3A_1084 : i32
      %dma_wait3A_1086 = arith.constant 0 : i32
      %dma_wait3A_1087 = arith.constant 0 : i32
      %dma_wait3A_1088 = tpu.memref_slice %arg6[%select_n3A_982, %dma_wait3A_1086, %dma_wait3A_1087] : memref<3x2x80xi32, #tpu.memory_space<vmem>> -> memref<1x2x80xi32, #tpu.memory_space<vmem>>
      %dma_wait3A_1089 = tpu.memref_squeeze %dma_wait3A_1088 : memref<1x2x80xi32, #tpu.memory_space<vmem>> -> memref<2x80xi32, #tpu.memory_space<vmem>>
      %dma_wait3A_1090 = arith.constant 0 : i32
      %dma_wait3A_1091 = arith.constant 0 : i32
      %dma_wait3A_1092 = arith.constant 0 : i32
      %dma_wait3A_1093 = tpu.memref_slice %arg2[%add3A, %dma_wait3A_1090, %dma_wait3A_1091, %dma_wait3A_1092] : memref<32x125x2x80xi32, #tpu.memory_space<hbm>> -> memref<1x125x2x80xi32, #tpu.memory_space<hbm>>
      %dma_wait3A_1094 = tpu.memref_squeeze %dma_wait3A_1093 : memref<1x125x2x80xi32, #tpu.memory_space<hbm>> -> memref<125x2x80xi32, #tpu.memory_space<hbm>>
      %dma_wait3A_1095 = arith.constant 0 : i32
      %dma_wait3A_1096 = arith.constant 0 : i32
      %dma_wait3A_1097 = tpu.memref_slice %dma_wait3A_1094[%add3A_1085, %dma_wait3A_1095, %dma_wait3A_1096] : memref<125x2x80xi32, #tpu.memory_space<hbm>> -> memref<1x2x80xi32, #tpu.memory_space<hbm>>
      %dma_wait3A_1098 = tpu.memref_squeeze %dma_wait3A_1097 : memref<1x2x80xi32, #tpu.memory_space<hbm>> -> memref<2x80xi32, #tpu.memory_space<hbm>>
      %dma_wait3A_1099 = tpu.memref_slice %arg9[%select_n3A_982] : memref<3x!tpu.dma_semaphore, #tpu.memory_space<semaphore_mem>> -> memref<1x!tpu.dma_semaphore, #tpu.memory_space<semaphore_mem>>
      %dma_wait3A_1100 = tpu.memref_squeeze %dma_wait3A_1099 : memref<1x!tpu.dma_semaphore, #tpu.memory_space<semaphore_mem>> -> memref<!tpu.dma_semaphore, #tpu.memory_space<semaphore_mem>>
      %dma_wait3A_1101 = arith.constant 0 : i32
      %dma_wait3A_1102 = arith.constant 0 : i32
      %dma_wait3A_1103 = tpu.memref_slice %arg6[%select_n3A_982, %dma_wait3A_1101, %dma_wait3A_1102] : memref<3x2x80xi32, #tpu.memory_space<vmem>> -> memref<1x2x80xi32, #tpu.memory_space<vmem>>
      %dma_wait3A_1104 = tpu.memref_squeeze %dma_wait3A_1103 : memref<1x2x80xi32, #tpu.memory_space<vmem>> -> memref<2x80xi32, #tpu.memory_space<vmem>>
      %dma_wait3A_1105 = arith.constant 0 : i32
      %dma_wait3A_1106 = arith.constant 0 : i32
      %dma_wait3A_1107 = arith.constant 0 : i32
      %dma_wait3A_1108 = tpu.memref_slice %arg2[%add3A, %dma_wait3A_1105, %dma_wait3A_1106, %dma_wait3A_1107] : memref<32x125x2x80xi32, #tpu.memory_space<hbm>> -> memref<1x125x2x80xi32, #tpu.memory_space<hbm>>
      %dma_wait3A_1109 = tpu.memref_squeeze %dma_wait3A_1108 : memref<1x125x2x80xi32, #tpu.memory_space<hbm>> -> memref<125x2x80xi32, #tpu.memory_space<hbm>>
      %dma_wait3A_1110 = arith.constant 0 : i32
      %dma_wait3A_1111 = arith.constant 0 : i32
      %dma_wait3A_1112 = tpu.memref_slice %dma_wait3A_1109[%add3A_1085, %dma_wait3A_1110, %dma_wait3A_1111] : memref<125x2x80xi32, #tpu.memory_space<hbm>> -> memref<1x2x80xi32, #tpu.memory_space<hbm>>
      %dma_wait3A_1113 = tpu.memref_squeeze %dma_wait3A_1112 : memref<1x2x80xi32, #tpu.memory_space<hbm>> -> memref<2x80xi32, #tpu.memory_space<hbm>>
      tpu.wait_dma2 semaphore(%dma_wait3A_1100 : memref<!tpu.dma_semaphore, #tpu.memory_space<semaphore_mem>>) src(%dma_wait3A_1113 : memref<2x80xi32, #tpu.memory_space<hbm>>) dst(%dma_wait3A_1104 : memref<2x80xi32, #tpu.memory_space<vmem>>)
      %add3A_1114 = arith.constant 2 : i32
      %add3A_1115 = arith.addi %add3A_964, %add3A_1114 : i32
      %dma_start3A_1116 = arith.constant 0 : i32
      %dma_start3A_1117 = arith.constant 0 : i32
      %dma_start3A_1118 = arith.constant 0 : i32
      %dma_start3A_1119 = tpu.memref_slice %arg7[%select_n3A_982, %dma_start3A_1117, %dma_start3A_1118] : memref<3x80x128xf32, #tpu.memory_space<vmem>> -> memref<1x80x128xf32, #tpu.memory_space<vmem>>
      %dma_start3A_1120 = tpu.memref_squeeze %dma_start3A_1119 : memref<1x80x128xf32, #tpu.memory_space<vmem>> -> memref<80x128xf32, #tpu.memory_space<vmem>>
      %dma_start3A_1121 = arith.constant 0 : i32
      %dma_start3A_1122 = arith.constant 0 : i32
      %dma_start3A_1123 = tpu.memref_slice %arg6[%select_n3A_982, %dma_start3A_1121, %dma_start3A_1122] : memref<3x2x80xi32, #tpu.memory_space<vmem>> -> memref<1x2x80xi32, #tpu.memory_space<vmem>>
      %dma_start3A_1124 = tpu.memref_squeeze %dma_start3A_1123 : memref<1x2x80xi32, #tpu.memory_space<vmem>> -> memref<2x80xi32, #tpu.memory_space<vmem>>
      %dma_start3A_1125 = arith.constant 0 : i32
      %dma_start3A_1126 = tpu.memref_slice %dma_start3A_1124[%dma_start3A_1116, %dma_start3A_1125] : memref<2x80xi32, #tpu.memory_space<vmem>> -> memref<1x80xi32, #tpu.memory_space<vmem>>
      %dma_start3A_1127 = tpu.memref_squeeze %dma_start3A_1126 : memref<1x80xi32, #tpu.memory_space<vmem>> -> memref<80xi32, #tpu.memory_space<vmem>>
      %dma_start3A_1128 = arith.constant 0 : i32
      %dma_start3A_1129 = arith.constant 0 : i32
      %dma_start3A_1130 = tpu.memref_slice %arg3[%dma_start3A_1128, %dma_start3A_1129] : memref<10000x128xf32, #tpu.memory_space<hbm>> -> memref<10000x128xf32, #tpu.memory_space<hbm>>
      %dma_start3A_1131 = tpu.memref_slice %arg10[%select_n3A_982] : memref<3x!tpu.dma_semaphore, #tpu.memory_space<semaphore_mem>> -> memref<1x!tpu.dma_semaphore, #tpu.memory_space<semaphore_mem>>
      %dma_start3A_1132 = tpu.memref_squeeze %dma_start3A_1131 : memref<1x!tpu.dma_semaphore, #tpu.memory_space<semaphore_mem>> -> memref<!tpu.dma_semaphore, #tpu.memory_space<semaphore_mem>>
      tpu.enqueue_indirect_dma source(%dma_start3A_1130 : memref<10000x128xf32, #tpu.memory_space<hbm>>) target(%dma_start3A_1120 : memref<80x128xf32, #tpu.memory_space<vmem>>) offsets(%dma_start3A_1127 : memref<80xi32, #tpu.memory_space<vmem>>) semaphore(%dma_start3A_1132 : memref<!tpu.dma_semaphore, #tpu.memory_space<semaphore_mem>>)
      %mul3A_1133 = arith.constant 3 : i32
      %mul3A_1134 = arith.muli %scan3A_785, %mul3A_1133 : i32
      %add3A_1135 = arith.constant 1 : i32
      %add3A_1136 = arith.addi %add3A_1135, %mul3A_1134 : i32
      %add3A_1137 = arith.constant 2 : i32
      %add3A_1138 = arith.addi %add3A_1136, %add3A_1137 : i32
      %add3A_1139 = arith.constant 2 : i32
      %add3A_1140 = arith.addi %add3A_1138, %add3A_1139 : i32
      %jit3A_1141 = arith.constant 3 : i32
      %eq3A_1142 = arith.constant 0 : i32
      %eq3A_1143 = arith.cmpi eq, %jit3A_1141, %eq3A_1142 : i32
      %jit3A_1144 = arith.constant 1 : i32
      %select_n3A_1145 = arith.select %eq3A_1143, %jit3A_1144, %jit3A_1141 : i32
      %rem3A_1146 = arith.remsi %add3A_1140, %select_n3A_1145 : i32
      %ne3A_1147 = arith.constant 0 : i32
      %ne3A_1148 = arith.cmpi ne, %rem3A_1146, %ne3A_1147 : i32
      %lt3A_1149 = arith.constant 0 : i32
      %lt3A_1150 = arith.cmpi slt, %rem3A_1146, %lt3A_1149 : i32
      %lt3A_1151 = arith.constant 0 : i32
      %lt3A_1152 = arith.cmpi slt, %select_n3A_1145, %lt3A_1151 : i32
      %ne3A_1153 = arith.xori %lt3A_1150, %lt3A_1152 : i1
      %and3A_1154 = arith.andi %ne3A_1153, %ne3A_1148 : i1
      %add3A_1155 = arith.addi %rem3A_1146, %select_n3A_1145 : i32
      %select_n3A_1156 = arith.select %and3A_1154, %add3A_1155, %rem3A_1146 : i32
      %jit3A_1157 = arith.constant 3 : i32
      %eq3A_1158 = arith.constant 0 : i32
      %eq3A_1159 = arith.cmpi eq, %jit3A_1157, %eq3A_1158 : i32
      %jit3A_1160 = arith.constant 1 : i32
      %select_n3A_1161 = arith.select %eq3A_1159, %jit3A_1160, %jit3A_1157 : i32
      %rem3A_1162 = arith.remsi %add3A_1138, %select_n3A_1161 : i32
      %ne3A_1163 = arith.constant 0 : i32
      %ne3A_1164 = arith.cmpi ne, %rem3A_1162, %ne3A_1163 : i32
      %lt3A_1165 = arith.constant 0 : i32
      %lt3A_1166 = arith.cmpi slt, %rem3A_1162, %lt3A_1165 : i32
      %lt3A_1167 = arith.constant 0 : i32
      %lt3A_1168 = arith.cmpi slt, %select_n3A_1161, %lt3A_1167 : i32
      %ne3A_1169 = arith.xori %lt3A_1166, %lt3A_1168 : i1
      %and3A_1170 = arith.andi %ne3A_1169, %ne3A_1164 : i1
      %add3A_1171 = arith.addi %rem3A_1162, %select_n3A_1161 : i32
      %select_n3A_1172 = arith.select %and3A_1170, %add3A_1171, %rem3A_1162 : i32
      %add3A_1173 = arith.constant 2 : i32
      %add3A_1174 = arith.addi %add3A_1138, %add3A_1173 : i32
      %sub3A_1175 = arith.constant 3 : i32
      %sub3A_1176 = arith.subi %add3A_1174, %sub3A_1175 : i32
      %dma_wait3A_1177 = arith.constant 1 : i32
      %dma_wait3A_1178 = arith.constant 0 : i32
      %dma_wait3A_1179 = arith.constant 0 : i32
      %dma_wait3A_1180 = tpu.memref_slice %arg7[%select_n3A_1156, %dma_wait3A_1178, %dma_wait3A_1179] : memref<3x80x128xf32, #tpu.memory_space<vmem>> -> memref<1x80x128xf32, #tpu.memory_space<vmem>>
      %dma_wait3A_1181 = tpu.memref_squeeze %dma_wait3A_1180 : memref<1x80x128xf32, #tpu.memory_space<vmem>> -> memref<80x128xf32, #tpu.memory_space<vmem>>
      %dma_wait3A_1182 = arith.constant 0 : i32
      %dma_wait3A_1183 = arith.constant 0 : i32
      %dma_wait3A_1184 = tpu.memref_slice %arg6[%select_n3A_1156, %dma_wait3A_1182, %dma_wait3A_1183] : memref<3x2x80xi32, #tpu.memory_space<vmem>> -> memref<1x2x80xi32, #tpu.memory_space<vmem>>
      %dma_wait3A_1185 = tpu.memref_squeeze %dma_wait3A_1184 : memref<1x2x80xi32, #tpu.memory_space<vmem>> -> memref<2x80xi32, #tpu.memory_space<vmem>>
      %dma_wait3A_1186 = arith.constant 0 : i32
      %dma_wait3A_1187 = tpu.memref_slice %dma_wait3A_1185[%dma_wait3A_1177, %dma_wait3A_1186] : memref<2x80xi32, #tpu.memory_space<vmem>> -> memref<1x80xi32, #tpu.memory_space<vmem>>
      %dma_wait3A_1188 = tpu.memref_squeeze %dma_wait3A_1187 : memref<1x80xi32, #tpu.memory_space<vmem>> -> memref<80xi32, #tpu.memory_space<vmem>>
      %dma_wait3A_1189 = arith.constant 0 : i32
      %dma_wait3A_1190 = arith.constant 0 : i32
      %dma_wait3A_1191 = tpu.memref_slice %arg8[%dma_wait3A_1189, %dma_wait3A_1190] : memref<10000x128xf32, #tpu.memory_space<vmem_shared>> -> memref<10000x128xf32, #tpu.memory_space<vmem_shared>>
      %dma_wait3A_1192 = tpu.memref_slice %arg11[%select_n3A_1156] : memref<3x!tpu.dma_semaphore, #tpu.memory_space<semaphore_mem>> -> memref<1x!tpu.dma_semaphore, #tpu.memory_space<semaphore_mem>>
      %dma_wait3A_1193 = tpu.memref_squeeze %dma_wait3A_1192 : memref<1x!tpu.dma_semaphore, #tpu.memory_space<semaphore_mem>> -> memref<!tpu.dma_semaphore, #tpu.memory_space<semaphore_mem>>
      tpu.wait_indirect_dma semaphore(%dma_wait3A_1193 : memref<!tpu.dma_semaphore, #tpu.memory_space<semaphore_mem>>) src(%dma_wait3A_1181 : memref<80x128xf32, #tpu.memory_space<vmem>>) dst(%dma_wait3A_1191 : memref<10000x128xf32, #tpu.memory_space<vmem_shared>>)
      %add3A_1194 = arith.constant 2 : i32
      %add3A_1195 = arith.addi %add3A_1138, %add3A_1194 : i32
      %dma_start3A_1196 = arith.constant 0 : i32
      %dma_start3A_1197 = arith.constant 0 : i32
      %dma_start3A_1198 = tpu.memref_slice %arg6[%select_n3A_1156, %dma_start3A_1196, %dma_start3A_1197] : memref<3x2x80xi32, #tpu.memory_space<vmem>> -> memref<1x2x80xi32, #tpu.memory_space<vmem>>
      %dma_start3A_1199 = tpu.memref_squeeze %dma_start3A_1198 : memref<1x2x80xi32, #tpu.memory_space<vmem>> -> memref<2x80xi32, #tpu.memory_space<vmem>>
      %dma_start3A_1200 = arith.constant 0 : i32
      %dma_start3A_1201 = arith.constant 0 : i32
      %dma_start3A_1202 = arith.constant 0 : i32
      %dma_start3A_1203 = tpu.memref_slice %arg2[%add3A, %dma_start3A_1200, %dma_start3A_1201, %dma_start3A_1202] : memref<32x125x2x80xi32, #tpu.memory_space<hbm>> -> memref<1x125x2x80xi32, #tpu.memory_space<hbm>>
      %dma_start3A_1204 = tpu.memref_squeeze %dma_start3A_1203 : memref<1x125x2x80xi32, #tpu.memory_space<hbm>> -> memref<125x2x80xi32, #tpu.memory_space<hbm>>
      %dma_start3A_1205 = arith.constant 0 : i32
      %dma_start3A_1206 = arith.constant 0 : i32
      %dma_start3A_1207 = tpu.memref_slice %dma_start3A_1204[%add3A_1195, %dma_start3A_1205, %dma_start3A_1206] : memref<125x2x80xi32, #tpu.memory_space<hbm>> -> memref<1x2x80xi32, #tpu.memory_space<hbm>>
      %dma_start3A_1208 = tpu.memref_squeeze %dma_start3A_1207 : memref<1x2x80xi32, #tpu.memory_space<hbm>> -> memref<2x80xi32, #tpu.memory_space<hbm>>
      %dma_start3A_1209 = tpu.memref_slice %arg9[%select_n3A_1156] : memref<3x!tpu.dma_semaphore, #tpu.memory_space<semaphore_mem>> -> memref<1x!tpu.dma_semaphore, #tpu.memory_space<semaphore_mem>>
      %dma_start3A_1210 = tpu.memref_squeeze %dma_start3A_1209 : memref<1x!tpu.dma_semaphore, #tpu.memory_space<semaphore_mem>> -> memref<!tpu.dma_semaphore, #tpu.memory_space<semaphore_mem>>
      %dma_start3A_1211 = arith.constant 0 : i32
      %dma_start3A_1212 = arith.constant 0 : i32
      %dma_start3A_1213 = tpu.memref_slice %arg6[%select_n3A_1156, %dma_start3A_1211, %dma_start3A_1212] : memref<3x2x80xi32, #tpu.memory_space<vmem>> -> memref<1x2x80xi32, #tpu.memory_space<vmem>>
      %dma_start3A_1214 = tpu.memref_squeeze %dma_start3A_1213 : memref<1x2x80xi32, #tpu.memory_space<vmem>> -> memref<2x80xi32, #tpu.memory_space<vmem>>
      %dma_start3A_1215 = arith.constant 0 : i32
      %dma_start3A_1216 = arith.constant 0 : i32
      %dma_start3A_1217 = arith.constant 0 : i32
      %dma_start3A_1218 = tpu.memref_slice %arg2[%add3A, %dma_start3A_1215, %dma_start3A_1216, %dma_start3A_1217] : memref<32x125x2x80xi32, #tpu.memory_space<hbm>> -> memref<1x125x2x80xi32, #tpu.memory_space<hbm>>
      %dma_start3A_1219 = tpu.memref_squeeze %dma_start3A_1218 : memref<1x125x2x80xi32, #tpu.memory_space<hbm>> -> memref<125x2x80xi32, #tpu.memory_space<hbm>>
      %dma_start3A_1220 = arith.constant 0 : i32
      %dma_start3A_1221 = arith.constant 0 : i32
      %dma_start3A_1222 = tpu.memref_slice %dma_start3A_1219[%add3A_1195, %dma_start3A_1220, %dma_start3A_1221] : memref<125x2x80xi32, #tpu.memory_space<hbm>> -> memref<1x2x80xi32, #tpu.memory_space<hbm>>
      %dma_start3A_1223 = tpu.memref_squeeze %dma_start3A_1222 : memref<1x2x80xi32, #tpu.memory_space<hbm>> -> memref<2x80xi32, #tpu.memory_space<hbm>>
      tpu.enqueue_dma source(%dma_start3A_1223 : memref<2x80xi32, #tpu.memory_space<hbm>>) target(%dma_start3A_1214 : memref<2x80xi32, #tpu.memory_space<vmem>>) target_semaphore(%dma_start3A_1210 : memref<!tpu.dma_semaphore, #tpu.memory_space<semaphore_mem>>)
      %dma_wait3A_1224 = arith.constant 0 : i32
      %dma_wait3A_1225 = arith.constant 0 : i32
      %dma_wait3A_1226 = arith.constant 0 : i32
      %dma_wait3A_1227 = tpu.memref_slice %arg7[%select_n3A_1172, %dma_wait3A_1225, %dma_wait3A_1226] : memref<3x80x128xf32, #tpu.memory_space<vmem>> -> memref<1x80x128xf32, #tpu.memory_space<vmem>>
      %dma_wait3A_1228 = tpu.memref_squeeze %dma_wait3A_1227 : memref<1x80x128xf32, #tpu.memory_space<vmem>> -> memref<80x128xf32, #tpu.memory_space<vmem>>
      %dma_wait3A_1229 = arith.constant 0 : i32
      %dma_wait3A_1230 = arith.constant 0 : i32
      %dma_wait3A_1231 = tpu.memref_slice %arg6[%select_n3A_1172, %dma_wait3A_1229, %dma_wait3A_1230] : memref<3x2x80xi32, #tpu.memory_space<vmem>> -> memref<1x2x80xi32, #tpu.memory_space<vmem>>
      %dma_wait3A_1232 = tpu.memref_squeeze %dma_wait3A_1231 : memref<1x2x80xi32, #tpu.memory_space<vmem>> -> memref<2x80xi32, #tpu.memory_space<vmem>>
      %dma_wait3A_1233 = arith.constant 0 : i32
      %dma_wait3A_1234 = tpu.memref_slice %dma_wait3A_1232[%dma_wait3A_1224, %dma_wait3A_1233] : memref<2x80xi32, #tpu.memory_space<vmem>> -> memref<1x80xi32, #tpu.memory_space<vmem>>
      %dma_wait3A_1235 = tpu.memref_squeeze %dma_wait3A_1234 : memref<1x80xi32, #tpu.memory_space<vmem>> -> memref<80xi32, #tpu.memory_space<vmem>>
      %dma_wait3A_1236 = arith.constant 0 : i32
      %dma_wait3A_1237 = arith.constant 0 : i32
      %dma_wait3A_1238 = tpu.memref_slice %arg3[%dma_wait3A_1236, %dma_wait3A_1237] : memref<10000x128xf32, #tpu.memory_space<hbm>> -> memref<10000x128xf32, #tpu.memory_space<hbm>>
      %dma_wait3A_1239 = tpu.memref_slice %arg10[%select_n3A_1172] : memref<3x!tpu.dma_semaphore, #tpu.memory_space<semaphore_mem>> -> memref<1x!tpu.dma_semaphore, #tpu.memory_space<semaphore_mem>>
      %dma_wait3A_1240 = tpu.memref_squeeze %dma_wait3A_1239 : memref<1x!tpu.dma_semaphore, #tpu.memory_space<semaphore_mem>> -> memref<!tpu.dma_semaphore, #tpu.memory_space<semaphore_mem>>
      tpu.wait_indirect_dma semaphore(%dma_wait3A_1240 : memref<!tpu.dma_semaphore, #tpu.memory_space<semaphore_mem>>) src(%dma_wait3A_1238 : memref<10000x128xf32, #tpu.memory_space<hbm>>) dst(%dma_wait3A_1228 : memref<80x128xf32, #tpu.memory_space<vmem>>)
      %dma_start3A_1241 = arith.constant 1 : i32
      %dma_start3A_1242 = arith.constant 0 : i32
      %dma_start3A_1243 = arith.constant 0 : i32
      %dma_start3A_1244 = tpu.memref_slice %arg7[%select_n3A_1172, %dma_start3A_1242, %dma_start3A_1243] : memref<3x80x128xf32, #tpu.memory_space<vmem>> -> memref<1x80x128xf32, #tpu.memory_space<vmem>>
      %dma_start3A_1245 = tpu.memref_squeeze %dma_start3A_1244 : memref<1x80x128xf32, #tpu.memory_space<vmem>> -> memref<80x128xf32, #tpu.memory_space<vmem>>
      %dma_start3A_1246 = arith.constant 0 : i32
      %dma_start3A_1247 = arith.constant 0 : i32
      %dma_start3A_1248 = tpu.memref_slice %arg6[%select_n3A_1172, %dma_start3A_1246, %dma_start3A_1247] : memref<3x2x80xi32, #tpu.memory_space<vmem>> -> memref<1x2x80xi32, #tpu.memory_space<vmem>>
      %dma_start3A_1249 = tpu.memref_squeeze %dma_start3A_1248 : memref<1x2x80xi32, #tpu.memory_space<vmem>> -> memref<2x80xi32, #tpu.memory_space<vmem>>
      %dma_start3A_1250 = arith.constant 0 : i32
      %dma_start3A_1251 = tpu.memref_slice %dma_start3A_1249[%dma_start3A_1241, %dma_start3A_1250] : memref<2x80xi32, #tpu.memory_space<vmem>> -> memref<1x80xi32, #tpu.memory_space<vmem>>
      %dma_start3A_1252 = tpu.memref_squeeze %dma_start3A_1251 : memref<1x80xi32, #tpu.memory_space<vmem>> -> memref<80xi32, #tpu.memory_space<vmem>>
      %dma_start3A_1253 = arith.constant 0 : i32
      %dma_start3A_1254 = arith.constant 0 : i32
      %dma_start3A_1255 = tpu.memref_slice %arg8[%dma_start3A_1253, %dma_start3A_1254] : memref<10000x128xf32, #tpu.memory_space<vmem_shared>> -> memref<10000x128xf32, #tpu.memory_space<vmem_shared>>
      %dma_start3A_1256 = tpu.memref_slice %arg11[%select_n3A_1172] : memref<3x!tpu.dma_semaphore, #tpu.memory_space<semaphore_mem>> -> memref<1x!tpu.dma_semaphore, #tpu.memory_space<semaphore_mem>>
      %dma_start3A_1257 = tpu.memref_squeeze %dma_start3A_1256 : memref<1x!tpu.dma_semaphore, #tpu.memory_space<semaphore_mem>> -> memref<!tpu.dma_semaphore, #tpu.memory_space<semaphore_mem>>
      tpu.enqueue_indirect_dma source(%dma_start3A_1245 : memref<80x128xf32, #tpu.memory_space<vmem>>) target(%dma_start3A_1255 : memref<10000x128xf32, #tpu.memory_space<vmem_shared>>) offsets(%dma_start3A_1252 : memref<80xi32, #tpu.memory_space<vmem>>) semaphore(%dma_start3A_1257 : memref<!tpu.dma_semaphore, #tpu.memory_space<semaphore_mem>>) {add = true}
      %add3A_1258 = arith.constant 2 : i32
      %add3A_1259 = arith.addi %add3A_1138, %add3A_1258 : i32
      %dma_wait3A_1260 = arith.constant 0 : i32
      %dma_wait3A_1261 = arith.constant 0 : i32
      %dma_wait3A_1262 = tpu.memref_slice %arg6[%select_n3A_1156, %dma_wait3A_1260, %dma_wait3A_1261] : memref<3x2x80xi32, #tpu.memory_space<vmem>> -> memref<1x2x80xi32, #tpu.memory_space<vmem>>
      %dma_wait3A_1263 = tpu.memref_squeeze %dma_wait3A_1262 : memref<1x2x80xi32, #tpu.memory_space<vmem>> -> memref<2x80xi32, #tpu.memory_space<vmem>>
      %dma_wait3A_1264 = arith.constant 0 : i32
      %dma_wait3A_1265 = arith.constant 0 : i32
      %dma_wait3A_1266 = arith.constant 0 : i32
      %dma_wait3A_1267 = tpu.memref_slice %arg2[%add3A, %dma_wait3A_1264, %dma_wait3A_1265, %dma_wait3A_1266] : memref<32x125x2x80xi32, #tpu.memory_space<hbm>> -> memref<1x125x2x80xi32, #tpu.memory_space<hbm>>
      %dma_wait3A_1268 = tpu.memref_squeeze %dma_wait3A_1267 : memref<1x125x2x80xi32, #tpu.memory_space<hbm>> -> memref<125x2x80xi32, #tpu.memory_space<hbm>>
      %dma_wait3A_1269 = arith.constant 0 : i32
      %dma_wait3A_1270 = arith.constant 0 : i32
      %dma_wait3A_1271 = tpu.memref_slice %dma_wait3A_1268[%add3A_1259, %dma_wait3A_1269, %dma_wait3A_1270] : memref<125x2x80xi32, #tpu.memory_space<hbm>> -> memref<1x2x80xi32, #tpu.memory_space<hbm>>
      %dma_wait3A_1272 = tpu.memref_squeeze %dma_wait3A_1271 : memref<1x2x80xi32, #tpu.memory_space<hbm>> -> memref<2x80xi32, #tpu.memory_space<hbm>>
      %dma_wait3A_1273 = tpu.memref_slice %arg9[%select_n3A_1156] : memref<3x!tpu.dma_semaphore, #tpu.memory_space<semaphore_mem>> -> memref<1x!tpu.dma_semaphore, #tpu.memory_space<semaphore_mem>>
      %dma_wait3A_1274 = tpu.memref_squeeze %dma_wait3A_1273 : memref<1x!tpu.dma_semaphore, #tpu.memory_space<semaphore_mem>> -> memref<!tpu.dma_semaphore, #tpu.memory_space<semaphore_mem>>
      %dma_wait3A_1275 = arith.constant 0 : i32
      %dma_wait3A_1276 = arith.constant 0 : i32
      %dma_wait3A_1277 = tpu.memref_slice %arg6[%select_n3A_1156, %dma_wait3A_1275, %dma_wait3A_1276] : memref<3x2x80xi32, #tpu.memory_space<vmem>> -> memref<1x2x80xi32, #tpu.memory_space<vmem>>
      %dma_wait3A_1278 = tpu.memref_squeeze %dma_wait3A_1277 : memref<1x2x80xi32, #tpu.memory_space<vmem>> -> memref<2x80xi32, #tpu.memory_space<vmem>>
      %dma_wait3A_1279 = arith.constant 0 : i32
      %dma_wait3A_1280 = arith.constant 0 : i32
      %dma_wait3A_1281 = arith.constant 0 : i32
      %dma_wait3A_1282 = tpu.memref_slice %arg2[%add3A, %dma_wait3A_1279, %dma_wait3A_1280, %dma_wait3A_1281] : memref<32x125x2x80xi32, #tpu.memory_space<hbm>> -> memref<1x125x2x80xi32, #tpu.memory_space<hbm>>
      %dma_wait3A_1283 = tpu.memref_squeeze %dma_wait3A_1282 : memref<1x125x2x80xi32, #tpu.memory_space<hbm>> -> memref<125x2x80xi32, #tpu.memory_space<hbm>>
      %dma_wait3A_1284 = arith.constant 0 : i32
      %dma_wait3A_1285 = arith.constant 0 : i32
      %dma_wait3A_1286 = tpu.memref_slice %dma_wait3A_1283[%add3A_1259, %dma_wait3A_1284, %dma_wait3A_1285] : memref<125x2x80xi32, #tpu.memory_space<hbm>> -> memref<1x2x80xi32, #tpu.memory_space<hbm>>
      %dma_wait3A_1287 = tpu.memref_squeeze %dma_wait3A_1286 : memref<1x2x80xi32, #tpu.memory_space<hbm>> -> memref<2x80xi32, #tpu.memory_space<hbm>>
      tpu.wait_dma2 semaphore(%dma_wait3A_1274 : memref<!tpu.dma_semaphore, #tpu.memory_space<semaphore_mem>>) src(%dma_wait3A_1287 : memref<2x80xi32, #tpu.memory_space<hbm>>) dst(%dma_wait3A_1278 : memref<2x80xi32, #tpu.memory_space<vmem>>)
      %add3A_1288 = arith.constant 2 : i32
      %add3A_1289 = arith.addi %add3A_1138, %add3A_1288 : i32
      %dma_start3A_1290 = arith.constant 0 : i32
      %dma_start3A_1291 = arith.constant 0 : i32
      %dma_start3A_1292 = arith.constant 0 : i32
      %dma_start3A_1293 = tpu.memref_slice %arg7[%select_n3A_1156, %dma_start3A_1291, %dma_start3A_1292] : memref<3x80x128xf32, #tpu.memory_space<vmem>> -> memref<1x80x128xf32, #tpu.memory_space<vmem>>
      %dma_start3A_1294 = tpu.memref_squeeze %dma_start3A_1293 : memref<1x80x128xf32, #tpu.memory_space<vmem>> -> memref<80x128xf32, #tpu.memory_space<vmem>>
      %dma_start3A_1295 = arith.constant 0 : i32
      %dma_start3A_1296 = arith.constant 0 : i32
      %dma_start3A_1297 = tpu.memref_slice %arg6[%select_n3A_1156, %dma_start3A_1295, %dma_start3A_1296] : memref<3x2x80xi32, #tpu.memory_space<vmem>> -> memref<1x2x80xi32, #tpu.memory_space<vmem>>
      %dma_start3A_1298 = tpu.memref_squeeze %dma_start3A_1297 : memref<1x2x80xi32, #tpu.memory_space<vmem>> -> memref<2x80xi32, #tpu.memory_space<vmem>>
      %dma_start3A_1299 = arith.constant 0 : i32
      %dma_start3A_1300 = tpu.memref_slice %dma_start3A_1298[%dma_start3A_1290, %dma_start3A_1299] : memref<2x80xi32, #tpu.memory_space<vmem>> -> memref<1x80xi32, #tpu.memory_space<vmem>>
      %dma_start3A_1301 = tpu.memref_squeeze %dma_start3A_1300 : memref<1x80xi32, #tpu.memory_space<vmem>> -> memref<80xi32, #tpu.memory_space<vmem>>
      %dma_start3A_1302 = arith.constant 0 : i32
      %dma_start3A_1303 = arith.constant 0 : i32
      %dma_start3A_1304 = tpu.memref_slice %arg3[%dma_start3A_1302, %dma_start3A_1303] : memref<10000x128xf32, #tpu.memory_space<hbm>> -> memref<10000x128xf32, #tpu.memory_space<hbm>>
      %dma_start3A_1305 = tpu.memref_slice %arg10[%select_n3A_1156] : memref<3x!tpu.dma_semaphore, #tpu.memory_space<semaphore_mem>> -> memref<1x!tpu.dma_semaphore, #tpu.memory_space<semaphore_mem>>
      %dma_start3A_1306 = tpu.memref_squeeze %dma_start3A_1305 : memref<1x!tpu.dma_semaphore, #tpu.memory_space<semaphore_mem>> -> memref<!tpu.dma_semaphore, #tpu.memory_space<semaphore_mem>>
      tpu.enqueue_indirect_dma source(%dma_start3A_1304 : memref<10000x128xf32, #tpu.memory_space<hbm>>) target(%dma_start3A_1294 : memref<80x128xf32, #tpu.memory_space<vmem>>) offsets(%dma_start3A_1301 : memref<80xi32, #tpu.memory_space<vmem>>) semaphore(%dma_start3A_1306 : memref<!tpu.dma_semaphore, #tpu.memory_space<semaphore_mem>>)
      %scan3A_1307 = arith.constant 0 : i32
      scf.yield %scan3A_1307 : i32
    }
    %scan3A_335 = arith.constant 40 : i32
    %dma_wait3A_336 = arith.constant 0 : i32
    %dma_wait3A_337 = arith.constant 0 : i32
    %dma_wait3A_338 = arith.constant 1 : i32
    %dma_wait3A_339 = arith.constant 0 : i32
    %dma_wait3A_340 = arith.constant 0 : i32
    %dma_wait3A_341 = arith.constant 0 : i32
    %dma_wait3A_342 = tpu.memref_slice %arg7[%dma_wait3A_336, %dma_wait3A_340, %dma_wait3A_341] : memref<3x80x128xf32, #tpu.memory_space<vmem>> -> memref<1x80x128xf32, #tpu.memory_space<vmem>>
    %dma_wait3A_343 = tpu.memref_squeeze %dma_wait3A_342 : memref<1x80x128xf32, #tpu.memory_space<vmem>> -> memref<80x128xf32, #tpu.memory_space<vmem>>
    %dma_wait3A_344 = arith.constant 0 : i32
    %dma_wait3A_345 = arith.constant 0 : i32
    %dma_wait3A_346 = tpu.memref_slice %arg6[%dma_wait3A_337, %dma_wait3A_344, %dma_wait3A_345] : memref<3x2x80xi32, #tpu.memory_space<vmem>> -> memref<1x2x80xi32, #tpu.memory_space<vmem>>
    %dma_wait3A_347 = tpu.memref_squeeze %dma_wait3A_346 : memref<1x2x80xi32, #tpu.memory_space<vmem>> -> memref<2x80xi32, #tpu.memory_space<vmem>>
    %dma_wait3A_348 = arith.constant 0 : i32
    %dma_wait3A_349 = tpu.memref_slice %dma_wait3A_347[%dma_wait3A_338, %dma_wait3A_348] : memref<2x80xi32, #tpu.memory_space<vmem>> -> memref<1x80xi32, #tpu.memory_space<vmem>>
    %dma_wait3A_350 = tpu.memref_squeeze %dma_wait3A_349 : memref<1x80xi32, #tpu.memory_space<vmem>> -> memref<80xi32, #tpu.memory_space<vmem>>
    %dma_wait3A_351 = arith.constant 0 : i32
    %dma_wait3A_352 = arith.constant 0 : i32
    %dma_wait3A_353 = tpu.memref_slice %arg8[%dma_wait3A_351, %dma_wait3A_352] : memref<10000x128xf32, #tpu.memory_space<vmem_shared>> -> memref<10000x128xf32, #tpu.memory_space<vmem_shared>>
    %dma_wait3A_354 = tpu.memref_slice %arg11[%dma_wait3A_339] : memref<3x!tpu.dma_semaphore, #tpu.memory_space<semaphore_mem>> -> memref<1x!tpu.dma_semaphore, #tpu.memory_space<semaphore_mem>>
    %dma_wait3A_355 = tpu.memref_squeeze %dma_wait3A_354 : memref<1x!tpu.dma_semaphore, #tpu.memory_space<semaphore_mem>> -> memref<!tpu.dma_semaphore, #tpu.memory_space<semaphore_mem>>
    tpu.wait_indirect_dma semaphore(%dma_wait3A_355 : memref<!tpu.dma_semaphore, #tpu.memory_space<semaphore_mem>>) src(%dma_wait3A_343 : memref<80x128xf32, #tpu.memory_space<vmem>>) dst(%dma_wait3A_353 : memref<10000x128xf32, #tpu.memory_space<vmem_shared>>)
    %dma_start3A_356 = arith.constant 123 : i32
    %dma_start3A_357 = arith.constant 0 : i32
    %dma_start3A_358 = arith.constant 0 : i32
    %dma_start3A_359 = arith.constant 0 : i32
    %dma_start3A_360 = arith.constant 0 : i32
    %dma_start3A_361 = tpu.memref_slice %arg6[%dma_start3A_357, %dma_start3A_359, %dma_start3A_360] : memref<3x2x80xi32, #tpu.memory_space<vmem>> -> memref<1x2x80xi32, #tpu.memory_space<vmem>>
    %dma_start3A_362 = tpu.memref_squeeze %dma_start3A_361 : memref<1x2x80xi32, #tpu.memory_space<vmem>> -> memref<2x80xi32, #tpu.memory_space<vmem>>
    %dma_start3A_363 = arith.constant 0 : i32
    %dma_start3A_364 = arith.constant 0 : i32
    %dma_start3A_365 = arith.constant 0 : i32
    %dma_start3A_366 = tpu.memref_slice %arg2[%add3A, %dma_start3A_363, %dma_start3A_364, %dma_start3A_365] : memref<32x125x2x80xi32, #tpu.memory_space<hbm>> -> memref<1x125x2x80xi32, #tpu.memory_space<hbm>>
    %dma_start3A_367 = tpu.memref_squeeze %dma_start3A_366 : memref<1x125x2x80xi32, #tpu.memory_space<hbm>> -> memref<125x2x80xi32, #tpu.memory_space<hbm>>
    %dma_start3A_368 = arith.constant 0 : i32
    %dma_start3A_369 = arith.constant 0 : i32
    %dma_start3A_370 = tpu.memref_slice %dma_start3A_367[%dma_start3A_356, %dma_start3A_368, %dma_start3A_369] : memref<125x2x80xi32, #tpu.memory_space<hbm>> -> memref<1x2x80xi32, #tpu.memory_space<hbm>>
    %dma_start3A_371 = tpu.memref_squeeze %dma_start3A_370 : memref<1x2x80xi32, #tpu.memory_space<hbm>> -> memref<2x80xi32, #tpu.memory_space<hbm>>
    %dma_start3A_372 = tpu.memref_slice %arg9[%dma_start3A_358] : memref<3x!tpu.dma_semaphore, #tpu.memory_space<semaphore_mem>> -> memref<1x!tpu.dma_semaphore, #tpu.memory_space<semaphore_mem>>
    %dma_start3A_373 = tpu.memref_squeeze %dma_start3A_372 : memref<1x!tpu.dma_semaphore, #tpu.memory_space<semaphore_mem>> -> memref<!tpu.dma_semaphore, #tpu.memory_space<semaphore_mem>>
    %dma_start3A_374 = arith.constant 0 : i32
    %dma_start3A_375 = arith.constant 0 : i32
    %dma_start3A_376 = tpu.memref_slice %arg6[%dma_start3A_357, %dma_start3A_374, %dma_start3A_375] : memref<3x2x80xi32, #tpu.memory_space<vmem>> -> memref<1x2x80xi32, #tpu.memory_space<vmem>>
    %dma_start3A_377 = tpu.memref_squeeze %dma_start3A_376 : memref<1x2x80xi32, #tpu.memory_space<vmem>> -> memref<2x80xi32, #tpu.memory_space<vmem>>
    %dma_start3A_378 = arith.constant 0 : i32
    %dma_start3A_379 = arith.constant 0 : i32
    %dma_start3A_380 = arith.constant 0 : i32
    %dma_start3A_381 = tpu.memref_slice %arg2[%add3A, %dma_start3A_378, %dma_start3A_379, %dma_start3A_380] : memref<32x125x2x80xi32, #tpu.memory_space<hbm>> -> memref<1x125x2x80xi32, #tpu.memory_space<hbm>>
    %dma_start3A_382 = tpu.memref_squeeze %dma_start3A_381 : memref<1x125x2x80xi32, #tpu.memory_space<hbm>> -> memref<125x2x80xi32, #tpu.memory_space<hbm>>
    %dma_start3A_383 = arith.constant 0 : i32
    %dma_start3A_384 = arith.constant 0 : i32
    %dma_start3A_385 = tpu.memref_slice %dma_start3A_382[%dma_start3A_356, %dma_start3A_383, %dma_start3A_384] : memref<125x2x80xi32, #tpu.memory_space<hbm>> -> memref<1x2x80xi32, #tpu.memory_space<hbm>>
    %dma_start3A_386 = tpu.memref_squeeze %dma_start3A_385 : memref<1x2x80xi32, #tpu.memory_space<hbm>> -> memref<2x80xi32, #tpu.memory_space<hbm>>
    tpu.enqueue_dma source(%dma_start3A_386 : memref<2x80xi32, #tpu.memory_space<hbm>>) target(%dma_start3A_377 : memref<2x80xi32, #tpu.memory_space<vmem>>) target_semaphore(%dma_start3A_373 : memref<!tpu.dma_semaphore, #tpu.memory_space<semaphore_mem>>)
    %dma_wait3A_387 = arith.constant 1 : i32
    %dma_wait3A_388 = arith.constant 0 : i32
    %dma_wait3A_389 = arith.constant 1 : i32
    %dma_wait3A_390 = arith.constant 1 : i32
    %dma_wait3A_391 = arith.constant 0 : i32
    %dma_wait3A_392 = arith.constant 0 : i32
    %dma_wait3A_393 = tpu.memref_slice %arg7[%dma_wait3A_389, %dma_wait3A_391, %dma_wait3A_392] : memref<3x80x128xf32, #tpu.memory_space<vmem>> -> memref<1x80x128xf32, #tpu.memory_space<vmem>>
    %dma_wait3A_394 = tpu.memref_squeeze %dma_wait3A_393 : memref<1x80x128xf32, #tpu.memory_space<vmem>> -> memref<80x128xf32, #tpu.memory_space<vmem>>
    %dma_wait3A_395 = arith.constant 0 : i32
    %dma_wait3A_396 = arith.constant 0 : i32
    %dma_wait3A_397 = tpu.memref_slice %arg6[%dma_wait3A_387, %dma_wait3A_395, %dma_wait3A_396] : memref<3x2x80xi32, #tpu.memory_space<vmem>> -> memref<1x2x80xi32, #tpu.memory_space<vmem>>
    %dma_wait3A_398 = tpu.memref_squeeze %dma_wait3A_397 : memref<1x2x80xi32, #tpu.memory_space<vmem>> -> memref<2x80xi32, #tpu.memory_space<vmem>>
    %dma_wait3A_399 = arith.constant 0 : i32
    %dma_wait3A_400 = tpu.memref_slice %dma_wait3A_398[%dma_wait3A_388, %dma_wait3A_399] : memref<2x80xi32, #tpu.memory_space<vmem>> -> memref<1x80xi32, #tpu.memory_space<vmem>>
    %dma_wait3A_401 = tpu.memref_squeeze %dma_wait3A_400 : memref<1x80xi32, #tpu.memory_space<vmem>> -> memref<80xi32, #tpu.memory_space<vmem>>
    %dma_wait3A_402 = arith.constant 0 : i32
    %dma_wait3A_403 = arith.constant 0 : i32
    %dma_wait3A_404 = tpu.memref_slice %arg3[%dma_wait3A_402, %dma_wait3A_403] : memref<10000x128xf32, #tpu.memory_space<hbm>> -> memref<10000x128xf32, #tpu.memory_space<hbm>>
    %dma_wait3A_405 = tpu.memref_slice %arg10[%dma_wait3A_390] : memref<3x!tpu.dma_semaphore, #tpu.memory_space<semaphore_mem>> -> memref<1x!tpu.dma_semaphore, #tpu.memory_space<semaphore_mem>>
    %dma_wait3A_406 = tpu.memref_squeeze %dma_wait3A_405 : memref<1x!tpu.dma_semaphore, #tpu.memory_space<semaphore_mem>> -> memref<!tpu.dma_semaphore, #tpu.memory_space<semaphore_mem>>
    tpu.wait_indirect_dma semaphore(%dma_wait3A_406 : memref<!tpu.dma_semaphore, #tpu.memory_space<semaphore_mem>>) src(%dma_wait3A_404 : memref<10000x128xf32, #tpu.memory_space<hbm>>) dst(%dma_wait3A_394 : memref<80x128xf32, #tpu.memory_space<vmem>>)
    %dma_start3A_407 = arith.constant 1 : i32
    %dma_start3A_408 = arith.constant 1 : i32
    %dma_start3A_409 = arith.constant 1 : i32
    %dma_start3A_410 = arith.constant 1 : i32
    %dma_start3A_411 = arith.constant 0 : i32
    %dma_start3A_412 = arith.constant 0 : i32
    %dma_start3A_413 = tpu.memref_slice %arg7[%dma_start3A_407, %dma_start3A_411, %dma_start3A_412] : memref<3x80x128xf32, #tpu.memory_space<vmem>> -> memref<1x80x128xf32, #tpu.memory_space<vmem>>
    %dma_start3A_414 = tpu.memref_squeeze %dma_start3A_413 : memref<1x80x128xf32, #tpu.memory_space<vmem>> -> memref<80x128xf32, #tpu.memory_space<vmem>>
    %dma_start3A_415 = arith.constant 0 : i32
    %dma_start3A_416 = arith.constant 0 : i32
    %dma_start3A_417 = tpu.memref_slice %arg6[%dma_start3A_408, %dma_start3A_415, %dma_start3A_416] : memref<3x2x80xi32, #tpu.memory_space<vmem>> -> memref<1x2x80xi32, #tpu.memory_space<vmem>>
    %dma_start3A_418 = tpu.memref_squeeze %dma_start3A_417 : memref<1x2x80xi32, #tpu.memory_space<vmem>> -> memref<2x80xi32, #tpu.memory_space<vmem>>
    %dma_start3A_419 = arith.constant 0 : i32
    %dma_start3A_420 = tpu.memref_slice %dma_start3A_418[%dma_start3A_409, %dma_start3A_419] : memref<2x80xi32, #tpu.memory_space<vmem>> -> memref<1x80xi32, #tpu.memory_space<vmem>>
    %dma_start3A_421 = tpu.memref_squeeze %dma_start3A_420 : memref<1x80xi32, #tpu.memory_space<vmem>> -> memref<80xi32, #tpu.memory_space<vmem>>
    %dma_start3A_422 = arith.constant 0 : i32
    %dma_start3A_423 = arith.constant 0 : i32
    %dma_start3A_424 = tpu.memref_slice %arg8[%dma_start3A_422, %dma_start3A_423] : memref<10000x128xf32, #tpu.memory_space<vmem_shared>> -> memref<10000x128xf32, #tpu.memory_space<vmem_shared>>
    %dma_start3A_425 = tpu.memref_slice %arg11[%dma_start3A_410] : memref<3x!tpu.dma_semaphore, #tpu.memory_space<semaphore_mem>> -> memref<1x!tpu.dma_semaphore, #tpu.memory_space<semaphore_mem>>
    %dma_start3A_426 = tpu.memref_squeeze %dma_start3A_425 : memref<1x!tpu.dma_semaphore, #tpu.memory_space<semaphore_mem>> -> memref<!tpu.dma_semaphore, #tpu.memory_space<semaphore_mem>>
    tpu.enqueue_indirect_dma source(%dma_start3A_414 : memref<80x128xf32, #tpu.memory_space<vmem>>) target(%dma_start3A_424 : memref<10000x128xf32, #tpu.memory_space<vmem_shared>>) offsets(%dma_start3A_421 : memref<80xi32, #tpu.memory_space<vmem>>) semaphore(%dma_start3A_426 : memref<!tpu.dma_semaphore, #tpu.memory_space<semaphore_mem>>) {add = true}
    %dma_wait3A_427 = arith.constant 123 : i32
    %dma_wait3A_428 = arith.constant 0 : i32
    %dma_wait3A_429 = arith.constant 0 : i32
    %dma_wait3A_430 = arith.constant 0 : i32
    %dma_wait3A_431 = arith.constant 0 : i32
    %dma_wait3A_432 = tpu.memref_slice %arg6[%dma_wait3A_428, %dma_wait3A_430, %dma_wait3A_431] : memref<3x2x80xi32, #tpu.memory_space<vmem>> -> memref<1x2x80xi32, #tpu.memory_space<vmem>>
    %dma_wait3A_433 = tpu.memref_squeeze %dma_wait3A_432 : memref<1x2x80xi32, #tpu.memory_space<vmem>> -> memref<2x80xi32, #tpu.memory_space<vmem>>
    %dma_wait3A_434 = arith.constant 0 : i32
    %dma_wait3A_435 = arith.constant 0 : i32
    %dma_wait3A_436 = arith.constant 0 : i32
    %dma_wait3A_437 = tpu.memref_slice %arg2[%add3A, %dma_wait3A_434, %dma_wait3A_435, %dma_wait3A_436] : memref<32x125x2x80xi32, #tpu.memory_space<hbm>> -> memref<1x125x2x80xi32, #tpu.memory_space<hbm>>
    %dma_wait3A_438 = tpu.memref_squeeze %dma_wait3A_437 : memref<1x125x2x80xi32, #tpu.memory_space<hbm>> -> memref<125x2x80xi32, #tpu.memory_space<hbm>>
    %dma_wait3A_439 = arith.constant 0 : i32
    %dma_wait3A_440 = arith.constant 0 : i32
    %dma_wait3A_441 = tpu.memref_slice %dma_wait3A_438[%dma_wait3A_427, %dma_wait3A_439, %dma_wait3A_440] : memref<125x2x80xi32, #tpu.memory_space<hbm>> -> memref<1x2x80xi32, #tpu.memory_space<hbm>>
    %dma_wait3A_442 = tpu.memref_squeeze %dma_wait3A_441 : memref<1x2x80xi32, #tpu.memory_space<hbm>> -> memref<2x80xi32, #tpu.memory_space<hbm>>
    %dma_wait3A_443 = tpu.memref_slice %arg9[%dma_wait3A_429] : memref<3x!tpu.dma_semaphore, #tpu.memory_space<semaphore_mem>> -> memref<1x!tpu.dma_semaphore, #tpu.memory_space<semaphore_mem>>
    %dma_wait3A_444 = tpu.memref_squeeze %dma_wait3A_443 : memref<1x!tpu.dma_semaphore, #tpu.memory_space<semaphore_mem>> -> memref<!tpu.dma_semaphore, #tpu.memory_space<semaphore_mem>>
    %dma_wait3A_445 = arith.constant 0 : i32
    %dma_wait3A_446 = arith.constant 0 : i32
    %dma_wait3A_447 = tpu.memref_slice %arg6[%dma_wait3A_428, %dma_wait3A_445, %dma_wait3A_446] : memref<3x2x80xi32, #tpu.memory_space<vmem>> -> memref<1x2x80xi32, #tpu.memory_space<vmem>>
    %dma_wait3A_448 = tpu.memref_squeeze %dma_wait3A_447 : memref<1x2x80xi32, #tpu.memory_space<vmem>> -> memref<2x80xi32, #tpu.memory_space<vmem>>
    %dma_wait3A_449 = arith.constant 0 : i32
    %dma_wait3A_450 = arith.constant 0 : i32
    %dma_wait3A_451 = arith.constant 0 : i32
    %dma_wait3A_452 = tpu.memref_slice %arg2[%add3A, %dma_wait3A_449, %dma_wait3A_450, %dma_wait3A_451] : memref<32x125x2x80xi32, #tpu.memory_space<hbm>> -> memref<1x125x2x80xi32, #tpu.memory_space<hbm>>
    %dma_wait3A_453 = tpu.memref_squeeze %dma_wait3A_452 : memref<1x125x2x80xi32, #tpu.memory_space<hbm>> -> memref<125x2x80xi32, #tpu.memory_space<hbm>>
    %dma_wait3A_454 = arith.constant 0 : i32
    %dma_wait3A_455 = arith.constant 0 : i32
    %dma_wait3A_456 = tpu.memref_slice %dma_wait3A_453[%dma_wait3A_427, %dma_wait3A_454, %dma_wait3A_455] : memref<125x2x80xi32, #tpu.memory_space<hbm>> -> memref<1x2x80xi32, #tpu.memory_space<hbm>>
    %dma_wait3A_457 = tpu.memref_squeeze %dma_wait3A_456 : memref<1x2x80xi32, #tpu.memory_space<hbm>> -> memref<2x80xi32, #tpu.memory_space<hbm>>
    tpu.wait_dma2 semaphore(%dma_wait3A_444 : memref<!tpu.dma_semaphore, #tpu.memory_space<semaphore_mem>>) src(%dma_wait3A_457 : memref<2x80xi32, #tpu.memory_space<hbm>>) dst(%dma_wait3A_448 : memref<2x80xi32, #tpu.memory_space<vmem>>)
    %dma_start3A_458 = arith.constant 0 : i32
    %dma_start3A_459 = arith.constant 0 : i32
    %dma_start3A_460 = arith.constant 0 : i32
    %dma_start3A_461 = arith.constant 0 : i32
    %dma_start3A_462 = arith.constant 0 : i32
    %dma_start3A_463 = arith.constant 0 : i32
    %dma_start3A_464 = tpu.memref_slice %arg7[%dma_start3A_460, %dma_start3A_462, %dma_start3A_463] : memref<3x80x128xf32, #tpu.memory_space<vmem>> -> memref<1x80x128xf32, #tpu.memory_space<vmem>>
    %dma_start3A_465 = tpu.memref_squeeze %dma_start3A_464 : memref<1x80x128xf32, #tpu.memory_space<vmem>> -> memref<80x128xf32, #tpu.memory_space<vmem>>
    %dma_start3A_466 = arith.constant 0 : i32
    %dma_start3A_467 = arith.constant 0 : i32
    %dma_start3A_468 = tpu.memref_slice %arg6[%dma_start3A_458, %dma_start3A_466, %dma_start3A_467] : memref<3x2x80xi32, #tpu.memory_space<vmem>> -> memref<1x2x80xi32, #tpu.memory_space<vmem>>
    %dma_start3A_469 = tpu.memref_squeeze %dma_start3A_468 : memref<1x2x80xi32, #tpu.memory_space<vmem>> -> memref<2x80xi32, #tpu.memory_space<vmem>>
    %dma_start3A_470 = arith.constant 0 : i32
    %dma_start3A_471 = tpu.memref_slice %dma_start3A_469[%dma_start3A_459, %dma_start3A_470] : memref<2x80xi32, #tpu.memory_space<vmem>> -> memref<1x80xi32, #tpu.memory_space<vmem>>
    %dma_start3A_472 = tpu.memref_squeeze %dma_start3A_471 : memref<1x80xi32, #tpu.memory_space<vmem>> -> memref<80xi32, #tpu.memory_space<vmem>>
    %dma_start3A_473 = arith.constant 0 : i32
    %dma_start3A_474 = arith.constant 0 : i32
    %dma_start3A_475 = tpu.memref_slice %arg3[%dma_start3A_473, %dma_start3A_474] : memref<10000x128xf32, #tpu.memory_space<hbm>> -> memref<10000x128xf32, #tpu.memory_space<hbm>>
    %dma_start3A_476 = tpu.memref_slice %arg10[%dma_start3A_461] : memref<3x!tpu.dma_semaphore, #tpu.memory_space<semaphore_mem>> -> memref<1x!tpu.dma_semaphore, #tpu.memory_space<semaphore_mem>>
    %dma_start3A_477 = tpu.memref_squeeze %dma_start3A_476 : memref<1x!tpu.dma_semaphore, #tpu.memory_space<semaphore_mem>> -> memref<!tpu.dma_semaphore, #tpu.memory_space<semaphore_mem>>
    tpu.enqueue_indirect_dma source(%dma_start3A_475 : memref<10000x128xf32, #tpu.memory_space<hbm>>) target(%dma_start3A_465 : memref<80x128xf32, #tpu.memory_space<vmem>>) offsets(%dma_start3A_472 : memref<80xi32, #tpu.memory_space<vmem>>) semaphore(%dma_start3A_477 : memref<!tpu.dma_semaphore, #tpu.memory_space<semaphore_mem>>)
    %dma_wait3A_478 = arith.constant 1 : i32
    %dma_wait3A_479 = arith.constant 1 : i32
    %dma_wait3A_480 = arith.constant 1 : i32
    %dma_wait3A_481 = arith.constant 1 : i32
    %dma_wait3A_482 = arith.constant 0 : i32
    %dma_wait3A_483 = arith.constant 0 : i32
    %dma_wait3A_484 = tpu.memref_slice %arg7[%dma_wait3A_478, %dma_wait3A_482, %dma_wait3A_483] : memref<3x80x128xf32, #tpu.memory_space<vmem>> -> memref<1x80x128xf32, #tpu.memory_space<vmem>>
    %dma_wait3A_485 = tpu.memref_squeeze %dma_wait3A_484 : memref<1x80x128xf32, #tpu.memory_space<vmem>> -> memref<80x128xf32, #tpu.memory_space<vmem>>
    %dma_wait3A_486 = arith.constant 0 : i32
    %dma_wait3A_487 = arith.constant 0 : i32
    %dma_wait3A_488 = tpu.memref_slice %arg6[%dma_wait3A_479, %dma_wait3A_486, %dma_wait3A_487] : memref<3x2x80xi32, #tpu.memory_space<vmem>> -> memref<1x2x80xi32, #tpu.memory_space<vmem>>
    %dma_wait3A_489 = tpu.memref_squeeze %dma_wait3A_488 : memref<1x2x80xi32, #tpu.memory_space<vmem>> -> memref<2x80xi32, #tpu.memory_space<vmem>>
    %dma_wait3A_490 = arith.constant 0 : i32
    %dma_wait3A_491 = tpu.memref_slice %dma_wait3A_489[%dma_wait3A_480, %dma_wait3A_490] : memref<2x80xi32, #tpu.memory_space<vmem>> -> memref<1x80xi32, #tpu.memory_space<vmem>>
    %dma_wait3A_492 = tpu.memref_squeeze %dma_wait3A_491 : memref<1x80xi32, #tpu.memory_space<vmem>> -> memref<80xi32, #tpu.memory_space<vmem>>
    %dma_wait3A_493 = arith.constant 0 : i32
    %dma_wait3A_494 = arith.constant 0 : i32
    %dma_wait3A_495 = tpu.memref_slice %arg8[%dma_wait3A_493, %dma_wait3A_494] : memref<10000x128xf32, #tpu.memory_space<vmem_shared>> -> memref<10000x128xf32, #tpu.memory_space<vmem_shared>>
    %dma_wait3A_496 = tpu.memref_slice %arg11[%dma_wait3A_481] : memref<3x!tpu.dma_semaphore, #tpu.memory_space<semaphore_mem>> -> memref<1x!tpu.dma_semaphore, #tpu.memory_space<semaphore_mem>>
    %dma_wait3A_497 = tpu.memref_squeeze %dma_wait3A_496 : memref<1x!tpu.dma_semaphore, #tpu.memory_space<semaphore_mem>> -> memref<!tpu.dma_semaphore, #tpu.memory_space<semaphore_mem>>
    tpu.wait_indirect_dma semaphore(%dma_wait3A_497 : memref<!tpu.dma_semaphore, #tpu.memory_space<semaphore_mem>>) src(%dma_wait3A_485 : memref<80x128xf32, #tpu.memory_space<vmem>>) dst(%dma_wait3A_495 : memref<10000x128xf32, #tpu.memory_space<vmem_shared>>)
    %dma_start3A_498 = arith.constant 124 : i32
    %dma_start3A_499 = arith.constant 1 : i32
    %dma_start3A_500 = arith.constant 1 : i32
    %dma_start3A_501 = arith.constant 0 : i32
    %dma_start3A_502 = arith.constant 0 : i32
    %dma_start3A_503 = tpu.memref_slice %arg6[%dma_start3A_499, %dma_start3A_501, %dma_start3A_502] : memref<3x2x80xi32, #tpu.memory_space<vmem>> -> memref<1x2x80xi32, #tpu.memory_space<vmem>>
    %dma_start3A_504 = tpu.memref_squeeze %dma_start3A_503 : memref<1x2x80xi32, #tpu.memory_space<vmem>> -> memref<2x80xi32, #tpu.memory_space<vmem>>
    %dma_start3A_505 = arith.constant 0 : i32
    %dma_start3A_506 = arith.constant 0 : i32
    %dma_start3A_507 = arith.constant 0 : i32
    %dma_start3A_508 = tpu.memref_slice %arg2[%add3A, %dma_start3A_505, %dma_start3A_506, %dma_start3A_507] : memref<32x125x2x80xi32, #tpu.memory_space<hbm>> -> memref<1x125x2x80xi32, #tpu.memory_space<hbm>>
    %dma_start3A_509 = tpu.memref_squeeze %dma_start3A_508 : memref<1x125x2x80xi32, #tpu.memory_space<hbm>> -> memref<125x2x80xi32, #tpu.memory_space<hbm>>
    %dma_start3A_510 = arith.constant 0 : i32
    %dma_start3A_511 = arith.constant 0 : i32
    %dma_start3A_512 = tpu.memref_slice %dma_start3A_509[%dma_start3A_498, %dma_start3A_510, %dma_start3A_511] : memref<125x2x80xi32, #tpu.memory_space<hbm>> -> memref<1x2x80xi32, #tpu.memory_space<hbm>>
    %dma_start3A_513 = tpu.memref_squeeze %dma_start3A_512 : memref<1x2x80xi32, #tpu.memory_space<hbm>> -> memref<2x80xi32, #tpu.memory_space<hbm>>
    %dma_start3A_514 = tpu.memref_slice %arg9[%dma_start3A_500] : memref<3x!tpu.dma_semaphore, #tpu.memory_space<semaphore_mem>> -> memref<1x!tpu.dma_semaphore, #tpu.memory_space<semaphore_mem>>
    %dma_start3A_515 = tpu.memref_squeeze %dma_start3A_514 : memref<1x!tpu.dma_semaphore, #tpu.memory_space<semaphore_mem>> -> memref<!tpu.dma_semaphore, #tpu.memory_space<semaphore_mem>>
    %dma_start3A_516 = arith.constant 0 : i32
    %dma_start3A_517 = arith.constant 0 : i32
    %dma_start3A_518 = tpu.memref_slice %arg6[%dma_start3A_499, %dma_start3A_516, %dma_start3A_517] : memref<3x2x80xi32, #tpu.memory_space<vmem>> -> memref<1x2x80xi32, #tpu.memory_space<vmem>>
    %dma_start3A_519 = tpu.memref_squeeze %dma_start3A_518 : memref<1x2x80xi32, #tpu.memory_space<vmem>> -> memref<2x80xi32, #tpu.memory_space<vmem>>
    %dma_start3A_520 = arith.constant 0 : i32
    %dma_start3A_521 = arith.constant 0 : i32
    %dma_start3A_522 = arith.constant 0 : i32
    %dma_start3A_523 = tpu.memref_slice %arg2[%add3A, %dma_start3A_520, %dma_start3A_521, %dma_start3A_522] : memref<32x125x2x80xi32, #tpu.memory_space<hbm>> -> memref<1x125x2x80xi32, #tpu.memory_space<hbm>>
    %dma_start3A_524 = tpu.memref_squeeze %dma_start3A_523 : memref<1x125x2x80xi32, #tpu.memory_space<hbm>> -> memref<125x2x80xi32, #tpu.memory_space<hbm>>
    %dma_start3A_525 = arith.constant 0 : i32
    %dma_start3A_526 = arith.constant 0 : i32
    %dma_start3A_527 = tpu.memref_slice %dma_start3A_524[%dma_start3A_498, %dma_start3A_525, %dma_start3A_526] : memref<125x2x80xi32, #tpu.memory_space<hbm>> -> memref<1x2x80xi32, #tpu.memory_space<hbm>>
    %dma_start3A_528 = tpu.memref_squeeze %dma_start3A_527 : memref<1x2x80xi32, #tpu.memory_space<hbm>> -> memref<2x80xi32, #tpu.memory_space<hbm>>
    tpu.enqueue_dma source(%dma_start3A_528 : memref<2x80xi32, #tpu.memory_space<hbm>>) target(%dma_start3A_519 : memref<2x80xi32, #tpu.memory_space<vmem>>) target_semaphore(%dma_start3A_515 : memref<!tpu.dma_semaphore, #tpu.memory_space<semaphore_mem>>)
    %dma_wait3A_529 = arith.constant 2 : i32
    %dma_wait3A_530 = arith.constant 0 : i32
    %dma_wait3A_531 = arith.constant 2 : i32
    %dma_wait3A_532 = arith.constant 2 : i32
    %dma_wait3A_533 = arith.constant 0 : i32
    %dma_wait3A_534 = arith.constant 0 : i32
    %dma_wait3A_535 = tpu.memref_slice %arg7[%dma_wait3A_531, %dma_wait3A_533, %dma_wait3A_534] : memref<3x80x128xf32, #tpu.memory_space<vmem>> -> memref<1x80x128xf32, #tpu.memory_space<vmem>>
    %dma_wait3A_536 = tpu.memref_squeeze %dma_wait3A_535 : memref<1x80x128xf32, #tpu.memory_space<vmem>> -> memref<80x128xf32, #tpu.memory_space<vmem>>
    %dma_wait3A_537 = arith.constant 0 : i32
    %dma_wait3A_538 = arith.constant 0 : i32
    %dma_wait3A_539 = tpu.memref_slice %arg6[%dma_wait3A_529, %dma_wait3A_537, %dma_wait3A_538] : memref<3x2x80xi32, #tpu.memory_space<vmem>> -> memref<1x2x80xi32, #tpu.memory_space<vmem>>
    %dma_wait3A_540 = tpu.memref_squeeze %dma_wait3A_539 : memref<1x2x80xi32, #tpu.memory_space<vmem>> -> memref<2x80xi32, #tpu.memory_space<vmem>>
    %dma_wait3A_541 = arith.constant 0 : i32
    %dma_wait3A_542 = tpu.memref_slice %dma_wait3A_540[%dma_wait3A_530, %dma_wait3A_541] : memref<2x80xi32, #tpu.memory_space<vmem>> -> memref<1x80xi32, #tpu.memory_space<vmem>>
    %dma_wait3A_543 = tpu.memref_squeeze %dma_wait3A_542 : memref<1x80xi32, #tpu.memory_space<vmem>> -> memref<80xi32, #tpu.memory_space<vmem>>
    %dma_wait3A_544 = arith.constant 0 : i32
    %dma_wait3A_545 = arith.constant 0 : i32
    %dma_wait3A_546 = tpu.memref_slice %arg3[%dma_wait3A_544, %dma_wait3A_545] : memref<10000x128xf32, #tpu.memory_space<hbm>> -> memref<10000x128xf32, #tpu.memory_space<hbm>>
    %dma_wait3A_547 = tpu.memref_slice %arg10[%dma_wait3A_532] : memref<3x!tpu.dma_semaphore, #tpu.memory_space<semaphore_mem>> -> memref<1x!tpu.dma_semaphore, #tpu.memory_space<semaphore_mem>>
    %dma_wait3A_548 = tpu.memref_squeeze %dma_wait3A_547 : memref<1x!tpu.dma_semaphore, #tpu.memory_space<semaphore_mem>> -> memref<!tpu.dma_semaphore, #tpu.memory_space<semaphore_mem>>
    tpu.wait_indirect_dma semaphore(%dma_wait3A_548 : memref<!tpu.dma_semaphore, #tpu.memory_space<semaphore_mem>>) src(%dma_wait3A_546 : memref<10000x128xf32, #tpu.memory_space<hbm>>) dst(%dma_wait3A_536 : memref<80x128xf32, #tpu.memory_space<vmem>>)
    %dma_start3A_549 = arith.constant 2 : i32
    %dma_start3A_550 = arith.constant 2 : i32
    %dma_start3A_551 = arith.constant 1 : i32
    %dma_start3A_552 = arith.constant 2 : i32
    %dma_start3A_553 = arith.constant 0 : i32
    %dma_start3A_554 = arith.constant 0 : i32
    %dma_start3A_555 = tpu.memref_slice %arg7[%dma_start3A_549, %dma_start3A_553, %dma_start3A_554] : memref<3x80x128xf32, #tpu.memory_space<vmem>> -> memref<1x80x128xf32, #tpu.memory_space<vmem>>
    %dma_start3A_556 = tpu.memref_squeeze %dma_start3A_555 : memref<1x80x128xf32, #tpu.memory_space<vmem>> -> memref<80x128xf32, #tpu.memory_space<vmem>>
    %dma_start3A_557 = arith.constant 0 : i32
    %dma_start3A_558 = arith.constant 0 : i32
    %dma_start3A_559 = tpu.memref_slice %arg6[%dma_start3A_550, %dma_start3A_557, %dma_start3A_558] : memref<3x2x80xi32, #tpu.memory_space<vmem>> -> memref<1x2x80xi32, #tpu.memory_space<vmem>>
    %dma_start3A_560 = tpu.memref_squeeze %dma_start3A_559 : memref<1x2x80xi32, #tpu.memory_space<vmem>> -> memref<2x80xi32, #tpu.memory_space<vmem>>
    %dma_start3A_561 = arith.constant 0 : i32
    %dma_start3A_562 = tpu.memref_slice %dma_start3A_560[%dma_start3A_551, %dma_start3A_561] : memref<2x80xi32, #tpu.memory_space<vmem>> -> memref<1x80xi32, #tpu.memory_space<vmem>>
    %dma_start3A_563 = tpu.memref_squeeze %dma_start3A_562 : memref<1x80xi32, #tpu.memory_space<vmem>> -> memref<80xi32, #tpu.memory_space<vmem>>
    %dma_start3A_564 = arith.constant 0 : i32
    %dma_start3A_565 = arith.constant 0 : i32
    %dma_start3A_566 = tpu.memref_slice %arg8[%dma_start3A_564, %dma_start3A_565] : memref<10000x128xf32, #tpu.memory_space<vmem_shared>> -> memref<10000x128xf32, #tpu.memory_space<vmem_shared>>
    %dma_start3A_567 = tpu.memref_slice %arg11[%dma_start3A_552] : memref<3x!tpu.dma_semaphore, #tpu.memory_space<semaphore_mem>> -> memref<1x!tpu.dma_semaphore, #tpu.memory_space<semaphore_mem>>
    %dma_start3A_568 = tpu.memref_squeeze %dma_start3A_567 : memref<1x!tpu.dma_semaphore, #tpu.memory_space<semaphore_mem>> -> memref<!tpu.dma_semaphore, #tpu.memory_space<semaphore_mem>>
    tpu.enqueue_indirect_dma source(%dma_start3A_556 : memref<80x128xf32, #tpu.memory_space<vmem>>) target(%dma_start3A_566 : memref<10000x128xf32, #tpu.memory_space<vmem_shared>>) offsets(%dma_start3A_563 : memref<80xi32, #tpu.memory_space<vmem>>) semaphore(%dma_start3A_568 : memref<!tpu.dma_semaphore, #tpu.memory_space<semaphore_mem>>) {add = true}
    %dma_wait3A_569 = arith.constant 124 : i32
    %dma_wait3A_570 = arith.constant 1 : i32
    %dma_wait3A_571 = arith.constant 1 : i32
    %dma_wait3A_572 = arith.constant 0 : i32
    %dma_wait3A_573 = arith.constant 0 : i32
    %dma_wait3A_574 = tpu.memref_slice %arg6[%dma_wait3A_570, %dma_wait3A_572, %dma_wait3A_573] : memref<3x2x80xi32, #tpu.memory_space<vmem>> -> memref<1x2x80xi32, #tpu.memory_space<vmem>>
    %dma_wait3A_575 = tpu.memref_squeeze %dma_wait3A_574 : memref<1x2x80xi32, #tpu.memory_space<vmem>> -> memref<2x80xi32, #tpu.memory_space<vmem>>
    %dma_wait3A_576 = arith.constant 0 : i32
    %dma_wait3A_577 = arith.constant 0 : i32
    %dma_wait3A_578 = arith.constant 0 : i32
    %dma_wait3A_579 = tpu.memref_slice %arg2[%add3A, %dma_wait3A_576, %dma_wait3A_577, %dma_wait3A_578] : memref<32x125x2x80xi32, #tpu.memory_space<hbm>> -> memref<1x125x2x80xi32, #tpu.memory_space<hbm>>
    %dma_wait3A_580 = tpu.memref_squeeze %dma_wait3A_579 : memref<1x125x2x80xi32, #tpu.memory_space<hbm>> -> memref<125x2x80xi32, #tpu.memory_space<hbm>>
    %dma_wait3A_581 = arith.constant 0 : i32
    %dma_wait3A_582 = arith.constant 0 : i32
    %dma_wait3A_583 = tpu.memref_slice %dma_wait3A_580[%dma_wait3A_569, %dma_wait3A_581, %dma_wait3A_582] : memref<125x2x80xi32, #tpu.memory_space<hbm>> -> memref<1x2x80xi32, #tpu.memory_space<hbm>>
    %dma_wait3A_584 = tpu.memref_squeeze %dma_wait3A_583 : memref<1x2x80xi32, #tpu.memory_space<hbm>> -> memref<2x80xi32, #tpu.memory_space<hbm>>
    %dma_wait3A_585 = tpu.memref_slice %arg9[%dma_wait3A_571] : memref<3x!tpu.dma_semaphore, #tpu.memory_space<semaphore_mem>> -> memref<1x!tpu.dma_semaphore, #tpu.memory_space<semaphore_mem>>
    %dma_wait3A_586 = tpu.memref_squeeze %dma_wait3A_585 : memref<1x!tpu.dma_semaphore, #tpu.memory_space<semaphore_mem>> -> memref<!tpu.dma_semaphore, #tpu.memory_space<semaphore_mem>>
    %dma_wait3A_587 = arith.constant 0 : i32
    %dma_wait3A_588 = arith.constant 0 : i32
    %dma_wait3A_589 = tpu.memref_slice %arg6[%dma_wait3A_570, %dma_wait3A_587, %dma_wait3A_588] : memref<3x2x80xi32, #tpu.memory_space<vmem>> -> memref<1x2x80xi32, #tpu.memory_space<vmem>>
    %dma_wait3A_590 = tpu.memref_squeeze %dma_wait3A_589 : memref<1x2x80xi32, #tpu.memory_space<vmem>> -> memref<2x80xi32, #tpu.memory_space<vmem>>
    %dma_wait3A_591 = arith.constant 0 : i32
    %dma_wait3A_592 = arith.constant 0 : i32
    %dma_wait3A_593 = arith.constant 0 : i32
    %dma_wait3A_594 = tpu.memref_slice %arg2[%add3A, %dma_wait3A_591, %dma_wait3A_592, %dma_wait3A_593] : memref<32x125x2x80xi32, #tpu.memory_space<hbm>> -> memref<1x125x2x80xi32, #tpu.memory_space<hbm>>
    %dma_wait3A_595 = tpu.memref_squeeze %dma_wait3A_594 : memref<1x125x2x80xi32, #tpu.memory_space<hbm>> -> memref<125x2x80xi32, #tpu.memory_space<hbm>>
    %dma_wait3A_596 = arith.constant 0 : i32
    %dma_wait3A_597 = arith.constant 0 : i32
    %dma_wait3A_598 = tpu.memref_slice %dma_wait3A_595[%dma_wait3A_569, %dma_wait3A_596, %dma_wait3A_597] : memref<125x2x80xi32, #tpu.memory_space<hbm>> -> memref<1x2x80xi32, #tpu.memory_space<hbm>>
    %dma_wait3A_599 = tpu.memref_squeeze %dma_wait3A_598 : memref<1x2x80xi32, #tpu.memory_space<hbm>> -> memref<2x80xi32, #tpu.memory_space<hbm>>
    tpu.wait_dma2 semaphore(%dma_wait3A_586 : memref<!tpu.dma_semaphore, #tpu.memory_space<semaphore_mem>>) src(%dma_wait3A_599 : memref<2x80xi32, #tpu.memory_space<hbm>>) dst(%dma_wait3A_590 : memref<2x80xi32, #tpu.memory_space<vmem>>)
    %dma_start3A_600 = arith.constant 1 : i32
    %dma_start3A_601 = arith.constant 0 : i32
    %dma_start3A_602 = arith.constant 1 : i32
    %dma_start3A_603 = arith.constant 1 : i32
    %dma_start3A_604 = arith.constant 0 : i32
    %dma_start3A_605 = arith.constant 0 : i32
    %dma_start3A_606 = tpu.memref_slice %arg7[%dma_start3A_602, %dma_start3A_604, %dma_start3A_605] : memref<3x80x128xf32, #tpu.memory_space<vmem>> -> memref<1x80x128xf32, #tpu.memory_space<vmem>>
    %dma_start3A_607 = tpu.memref_squeeze %dma_start3A_606 : memref<1x80x128xf32, #tpu.memory_space<vmem>> -> memref<80x128xf32, #tpu.memory_space<vmem>>
    %dma_start3A_608 = arith.constant 0 : i32
    %dma_start3A_609 = arith.constant 0 : i32
    %dma_start3A_610 = tpu.memref_slice %arg6[%dma_start3A_600, %dma_start3A_608, %dma_start3A_609] : memref<3x2x80xi32, #tpu.memory_space<vmem>> -> memref<1x2x80xi32, #tpu.memory_space<vmem>>
    %dma_start3A_611 = tpu.memref_squeeze %dma_start3A_610 : memref<1x2x80xi32, #tpu.memory_space<vmem>> -> memref<2x80xi32, #tpu.memory_space<vmem>>
    %dma_start3A_612 = arith.constant 0 : i32
    %dma_start3A_613 = tpu.memref_slice %dma_start3A_611[%dma_start3A_601, %dma_start3A_612] : memref<2x80xi32, #tpu.memory_space<vmem>> -> memref<1x80xi32, #tpu.memory_space<vmem>>
    %dma_start3A_614 = tpu.memref_squeeze %dma_start3A_613 : memref<1x80xi32, #tpu.memory_space<vmem>> -> memref<80xi32, #tpu.memory_space<vmem>>
    %dma_start3A_615 = arith.constant 0 : i32
    %dma_start3A_616 = arith.constant 0 : i32
    %dma_start3A_617 = tpu.memref_slice %arg3[%dma_start3A_615, %dma_start3A_616] : memref<10000x128xf32, #tpu.memory_space<hbm>> -> memref<10000x128xf32, #tpu.memory_space<hbm>>
    %dma_start3A_618 = tpu.memref_slice %arg10[%dma_start3A_603] : memref<3x!tpu.dma_semaphore, #tpu.memory_space<semaphore_mem>> -> memref<1x!tpu.dma_semaphore, #tpu.memory_space<semaphore_mem>>
    %dma_start3A_619 = tpu.memref_squeeze %dma_start3A_618 : memref<1x!tpu.dma_semaphore, #tpu.memory_space<semaphore_mem>> -> memref<!tpu.dma_semaphore, #tpu.memory_space<semaphore_mem>>
    tpu.enqueue_indirect_dma source(%dma_start3A_617 : memref<10000x128xf32, #tpu.memory_space<hbm>>) target(%dma_start3A_607 : memref<80x128xf32, #tpu.memory_space<vmem>>) offsets(%dma_start3A_614 : memref<80xi32, #tpu.memory_space<vmem>>) semaphore(%dma_start3A_619 : memref<!tpu.dma_semaphore, #tpu.memory_space<semaphore_mem>>)
    %dma_wait3A_620 = arith.constant 2 : i32
    %dma_wait3A_621 = arith.constant 2 : i32
    %dma_wait3A_622 = arith.constant 1 : i32
    %dma_wait3A_623 = arith.constant 2 : i32
    %dma_wait3A_624 = arith.constant 0 : i32
    %dma_wait3A_625 = arith.constant 0 : i32
    %dma_wait3A_626 = tpu.memref_slice %arg7[%dma_wait3A_620, %dma_wait3A_624, %dma_wait3A_625] : memref<3x80x128xf32, #tpu.memory_space<vmem>> -> memref<1x80x128xf32, #tpu.memory_space<vmem>>
    %dma_wait3A_627 = tpu.memref_squeeze %dma_wait3A_626 : memref<1x80x128xf32, #tpu.memory_space<vmem>> -> memref<80x128xf32, #tpu.memory_space<vmem>>
    %dma_wait3A_628 = arith.constant 0 : i32
    %dma_wait3A_629 = arith.constant 0 : i32
    %dma_wait3A_630 = tpu.memref_slice %arg6[%dma_wait3A_621, %dma_wait3A_628, %dma_wait3A_629] : memref<3x2x80xi32, #tpu.memory_space<vmem>> -> memref<1x2x80xi32, #tpu.memory_space<vmem>>
    %dma_wait3A_631 = tpu.memref_squeeze %dma_wait3A_630 : memref<1x2x80xi32, #tpu.memory_space<vmem>> -> memref<2x80xi32, #tpu.memory_space<vmem>>
    %dma_wait3A_632 = arith.constant 0 : i32
    %dma_wait3A_633 = tpu.memref_slice %dma_wait3A_631[%dma_wait3A_622, %dma_wait3A_632] : memref<2x80xi32, #tpu.memory_space<vmem>> -> memref<1x80xi32, #tpu.memory_space<vmem>>
    %dma_wait3A_634 = tpu.memref_squeeze %dma_wait3A_633 : memref<1x80xi32, #tpu.memory_space<vmem>> -> memref<80xi32, #tpu.memory_space<vmem>>
    %dma_wait3A_635 = arith.constant 0 : i32
    %dma_wait3A_636 = arith.constant 0 : i32
    %dma_wait3A_637 = tpu.memref_slice %arg8[%dma_wait3A_635, %dma_wait3A_636] : memref<10000x128xf32, #tpu.memory_space<vmem_shared>> -> memref<10000x128xf32, #tpu.memory_space<vmem_shared>>
    %dma_wait3A_638 = tpu.memref_slice %arg11[%dma_wait3A_623] : memref<3x!tpu.dma_semaphore, #tpu.memory_space<semaphore_mem>> -> memref<1x!tpu.dma_semaphore, #tpu.memory_space<semaphore_mem>>
    %dma_wait3A_639 = tpu.memref_squeeze %dma_wait3A_638 : memref<1x!tpu.dma_semaphore, #tpu.memory_space<semaphore_mem>> -> memref<!tpu.dma_semaphore, #tpu.memory_space<semaphore_mem>>
    tpu.wait_indirect_dma semaphore(%dma_wait3A_639 : memref<!tpu.dma_semaphore, #tpu.memory_space<semaphore_mem>>) src(%dma_wait3A_627 : memref<80x128xf32, #tpu.memory_space<vmem>>) dst(%dma_wait3A_637 : memref<10000x128xf32, #tpu.memory_space<vmem_shared>>)
    %dma_wait3A_640 = arith.constant 0 : i32
    %dma_wait3A_641 = arith.constant 0 : i32
    %dma_wait3A_642 = arith.constant 0 : i32
    %dma_wait3A_643 = arith.constant 0 : i32
    %dma_wait3A_644 = arith.constant 0 : i32
    %dma_wait3A_645 = arith.constant 0 : i32
    %dma_wait3A_646 = tpu.memref_slice %arg7[%dma_wait3A_642, %dma_wait3A_644, %dma_wait3A_645] : memref<3x80x128xf32, #tpu.memory_space<vmem>> -> memref<1x80x128xf32, #tpu.memory_space<vmem>>
    %dma_wait3A_647 = tpu.memref_squeeze %dma_wait3A_646 : memref<1x80x128xf32, #tpu.memory_space<vmem>> -> memref<80x128xf32, #tpu.memory_space<vmem>>
    %dma_wait3A_648 = arith.constant 0 : i32
    %dma_wait3A_649 = arith.constant 0 : i32
    %dma_wait3A_650 = tpu.memref_slice %arg6[%dma_wait3A_640, %dma_wait3A_648, %dma_wait3A_649] : memref<3x2x80xi32, #tpu.memory_space<vmem>> -> memref<1x2x80xi32, #tpu.memory_space<vmem>>
    %dma_wait3A_651 = tpu.memref_squeeze %dma_wait3A_650 : memref<1x2x80xi32, #tpu.memory_space<vmem>> -> memref<2x80xi32, #tpu.memory_space<vmem>>
    %dma_wait3A_652 = arith.constant 0 : i32
    %dma_wait3A_653 = tpu.memref_slice %dma_wait3A_651[%dma_wait3A_641, %dma_wait3A_652] : memref<2x80xi32, #tpu.memory_space<vmem>> -> memref<1x80xi32, #tpu.memory_space<vmem>>
    %dma_wait3A_654 = tpu.memref_squeeze %dma_wait3A_653 : memref<1x80xi32, #tpu.memory_space<vmem>> -> memref<80xi32, #tpu.memory_space<vmem>>
    %dma_wait3A_655 = arith.constant 0 : i32
    %dma_wait3A_656 = arith.constant 0 : i32
    %dma_wait3A_657 = tpu.memref_slice %arg3[%dma_wait3A_655, %dma_wait3A_656] : memref<10000x128xf32, #tpu.memory_space<hbm>> -> memref<10000x128xf32, #tpu.memory_space<hbm>>
    %dma_wait3A_658 = tpu.memref_slice %arg10[%dma_wait3A_643] : memref<3x!tpu.dma_semaphore, #tpu.memory_space<semaphore_mem>> -> memref<1x!tpu.dma_semaphore, #tpu.memory_space<semaphore_mem>>
    %dma_wait3A_659 = tpu.memref_squeeze %dma_wait3A_658 : memref<1x!tpu.dma_semaphore, #tpu.memory_space<semaphore_mem>> -> memref<!tpu.dma_semaphore, #tpu.memory_space<semaphore_mem>>
    tpu.wait_indirect_dma semaphore(%dma_wait3A_659 : memref<!tpu.dma_semaphore, #tpu.memory_space<semaphore_mem>>) src(%dma_wait3A_657 : memref<10000x128xf32, #tpu.memory_space<hbm>>) dst(%dma_wait3A_647 : memref<80x128xf32, #tpu.memory_space<vmem>>)
    %dma_start3A_660 = arith.constant 0 : i32
    %dma_start3A_661 = arith.constant 0 : i32
    %dma_start3A_662 = arith.constant 1 : i32
    %dma_start3A_663 = arith.constant 0 : i32
    %dma_start3A_664 = arith.constant 0 : i32
    %dma_start3A_665 = arith.constant 0 : i32
    %dma_start3A_666 = tpu.memref_slice %arg7[%dma_start3A_660, %dma_start3A_664, %dma_start3A_665] : memref<3x80x128xf32, #tpu.memory_space<vmem>> -> memref<1x80x128xf32, #tpu.memory_space<vmem>>
    %dma_start3A_667 = tpu.memref_squeeze %dma_start3A_666 : memref<1x80x128xf32, #tpu.memory_space<vmem>> -> memref<80x128xf32, #tpu.memory_space<vmem>>
    %dma_start3A_668 = arith.constant 0 : i32
    %dma_start3A_669 = arith.constant 0 : i32
    %dma_start3A_670 = tpu.memref_slice %arg6[%dma_start3A_661, %dma_start3A_668, %dma_start3A_669] : memref<3x2x80xi32, #tpu.memory_space<vmem>> -> memref<1x2x80xi32, #tpu.memory_space<vmem>>
    %dma_start3A_671 = tpu.memref_squeeze %dma_start3A_670 : memref<1x2x80xi32, #tpu.memory_space<vmem>> -> memref<2x80xi32, #tpu.memory_space<vmem>>
    %dma_start3A_672 = arith.constant 0 : i32
    %dma_start3A_673 = tpu.memref_slice %dma_start3A_671[%dma_start3A_662, %dma_start3A_672] : memref<2x80xi32, #tpu.memory_space<vmem>> -> memref<1x80xi32, #tpu.memory_space<vmem>>
    %dma_start3A_674 = tpu.memref_squeeze %dma_start3A_673 : memref<1x80xi32, #tpu.memory_space<vmem>> -> memref<80xi32, #tpu.memory_space<vmem>>
    %dma_start3A_675 = arith.constant 0 : i32
    %dma_start3A_676 = arith.constant 0 : i32
    %dma_start3A_677 = tpu.memref_slice %arg8[%dma_start3A_675, %dma_start3A_676] : memref<10000x128xf32, #tpu.memory_space<vmem_shared>> -> memref<10000x128xf32, #tpu.memory_space<vmem_shared>>
    %dma_start3A_678 = tpu.memref_slice %arg11[%dma_start3A_663] : memref<3x!tpu.dma_semaphore, #tpu.memory_space<semaphore_mem>> -> memref<1x!tpu.dma_semaphore, #tpu.memory_space<semaphore_mem>>
    %dma_start3A_679 = tpu.memref_squeeze %dma_start3A_678 : memref<1x!tpu.dma_semaphore, #tpu.memory_space<semaphore_mem>> -> memref<!tpu.dma_semaphore, #tpu.memory_space<semaphore_mem>>
    tpu.enqueue_indirect_dma source(%dma_start3A_667 : memref<80x128xf32, #tpu.memory_space<vmem>>) target(%dma_start3A_677 : memref<10000x128xf32, #tpu.memory_space<vmem_shared>>) offsets(%dma_start3A_674 : memref<80xi32, #tpu.memory_space<vmem>>) semaphore(%dma_start3A_679 : memref<!tpu.dma_semaphore, #tpu.memory_space<semaphore_mem>>) {add = true}
    %dma_wait3A_680 = arith.constant 0 : i32
    %dma_wait3A_681 = arith.constant 0 : i32
    %dma_wait3A_682 = arith.constant 1 : i32
    %dma_wait3A_683 = arith.constant 0 : i32
    %dma_wait3A_684 = arith.constant 0 : i32
    %dma_wait3A_685 = arith.constant 0 : i32
    %dma_wait3A_686 = tpu.memref_slice %arg7[%dma_wait3A_680, %dma_wait3A_684, %dma_wait3A_685] : memref<3x80x128xf32, #tpu.memory_space<vmem>> -> memref<1x80x128xf32, #tpu.memory_space<vmem>>
    %dma_wait3A_687 = tpu.memref_squeeze %dma_wait3A_686 : memref<1x80x128xf32, #tpu.memory_space<vmem>> -> memref<80x128xf32, #tpu.memory_space<vmem>>
    %dma_wait3A_688 = arith.constant 0 : i32
    %dma_wait3A_689 = arith.constant 0 : i32
    %dma_wait3A_690 = tpu.memref_slice %arg6[%dma_wait3A_681, %dma_wait3A_688, %dma_wait3A_689] : memref<3x2x80xi32, #tpu.memory_space<vmem>> -> memref<1x2x80xi32, #tpu.memory_space<vmem>>
    %dma_wait3A_691 = tpu.memref_squeeze %dma_wait3A_690 : memref<1x2x80xi32, #tpu.memory_space<vmem>> -> memref<2x80xi32, #tpu.memory_space<vmem>>
    %dma_wait3A_692 = arith.constant 0 : i32
    %dma_wait3A_693 = tpu.memref_slice %dma_wait3A_691[%dma_wait3A_682, %dma_wait3A_692] : memref<2x80xi32, #tpu.memory_space<vmem>> -> memref<1x80xi32, #tpu.memory_space<vmem>>
    %dma_wait3A_694 = tpu.memref_squeeze %dma_wait3A_693 : memref<1x80xi32, #tpu.memory_space<vmem>> -> memref<80xi32, #tpu.memory_space<vmem>>
    %dma_wait3A_695 = arith.constant 0 : i32
    %dma_wait3A_696 = arith.constant 0 : i32
    %dma_wait3A_697 = tpu.memref_slice %arg8[%dma_wait3A_695, %dma_wait3A_696] : memref<10000x128xf32, #tpu.memory_space<vmem_shared>> -> memref<10000x128xf32, #tpu.memory_space<vmem_shared>>
    %dma_wait3A_698 = tpu.memref_slice %arg11[%dma_wait3A_683] : memref<3x!tpu.dma_semaphore, #tpu.memory_space<semaphore_mem>> -> memref<1x!tpu.dma_semaphore, #tpu.memory_space<semaphore_mem>>
    %dma_wait3A_699 = tpu.memref_squeeze %dma_wait3A_698 : memref<1x!tpu.dma_semaphore, #tpu.memory_space<semaphore_mem>> -> memref<!tpu.dma_semaphore, #tpu.memory_space<semaphore_mem>>
    tpu.wait_indirect_dma semaphore(%dma_wait3A_699 : memref<!tpu.dma_semaphore, #tpu.memory_space<semaphore_mem>>) src(%dma_wait3A_687 : memref<80x128xf32, #tpu.memory_space<vmem>>) dst(%dma_wait3A_697 : memref<10000x128xf32, #tpu.memory_space<vmem_shared>>)
    %dma_wait3A_700 = arith.constant 1 : i32
    %dma_wait3A_701 = arith.constant 0 : i32
    %dma_wait3A_702 = arith.constant 1 : i32
    %dma_wait3A_703 = arith.constant 1 : i32
    %dma_wait3A_704 = arith.constant 0 : i32
    %dma_wait3A_705 = arith.constant 0 : i32
    %dma_wait3A_706 = tpu.memref_slice %arg7[%dma_wait3A_702, %dma_wait3A_704, %dma_wait3A_705] : memref<3x80x128xf32, #tpu.memory_space<vmem>> -> memref<1x80x128xf32, #tpu.memory_space<vmem>>
    %dma_wait3A_707 = tpu.memref_squeeze %dma_wait3A_706 : memref<1x80x128xf32, #tpu.memory_space<vmem>> -> memref<80x128xf32, #tpu.memory_space<vmem>>
    %dma_wait3A_708 = arith.constant 0 : i32
    %dma_wait3A_709 = arith.constant 0 : i32
    %dma_wait3A_710 = tpu.memref_slice %arg6[%dma_wait3A_700, %dma_wait3A_708, %dma_wait3A_709] : memref<3x2x80xi32, #tpu.memory_space<vmem>> -> memref<1x2x80xi32, #tpu.memory_space<vmem>>
    %dma_wait3A_711 = tpu.memref_squeeze %dma_wait3A_710 : memref<1x2x80xi32, #tpu.memory_space<vmem>> -> memref<2x80xi32, #tpu.memory_space<vmem>>
    %dma_wait3A_712 = arith.constant 0 : i32
    %dma_wait3A_713 = tpu.memref_slice %dma_wait3A_711[%dma_wait3A_701, %dma_wait3A_712] : memref<2x80xi32, #tpu.memory_space<vmem>> -> memref<1x80xi32, #tpu.memory_space<vmem>>
    %dma_wait3A_714 = tpu.memref_squeeze %dma_wait3A_713 : memref<1x80xi32, #tpu.memory_space<vmem>> -> memref<80xi32, #tpu.memory_space<vmem>>
    %dma_wait3A_715 = arith.constant 0 : i32
    %dma_wait3A_716 = arith.constant 0 : i32
    %dma_wait3A_717 = tpu.memref_slice %arg3[%dma_wait3A_715, %dma_wait3A_716] : memref<10000x128xf32, #tpu.memory_space<hbm>> -> memref<10000x128xf32, #tpu.memory_space<hbm>>
    %dma_wait3A_718 = tpu.memref_slice %arg10[%dma_wait3A_703] : memref<3x!tpu.dma_semaphore, #tpu.memory_space<semaphore_mem>> -> memref<1x!tpu.dma_semaphore, #tpu.memory_space<semaphore_mem>>
    %dma_wait3A_719 = tpu.memref_squeeze %dma_wait3A_718 : memref<1x!tpu.dma_semaphore, #tpu.memory_space<semaphore_mem>> -> memref<!tpu.dma_semaphore, #tpu.memory_space<semaphore_mem>>
    tpu.wait_indirect_dma semaphore(%dma_wait3A_719 : memref<!tpu.dma_semaphore, #tpu.memory_space<semaphore_mem>>) src(%dma_wait3A_717 : memref<10000x128xf32, #tpu.memory_space<hbm>>) dst(%dma_wait3A_707 : memref<80x128xf32, #tpu.memory_space<vmem>>)
    %dma_start3A_720 = arith.constant 1 : i32
    %dma_start3A_721 = arith.constant 1 : i32
    %dma_start3A_722 = arith.constant 1 : i32
    %dma_start3A_723 = arith.constant 1 : i32
    %dma_start3A_724 = arith.constant 0 : i32
    %dma_start3A_725 = arith.constant 0 : i32
    %dma_start3A_726 = tpu.memref_slice %arg7[%dma_start3A_720, %dma_start3A_724, %dma_start3A_725] : memref<3x80x128xf32, #tpu.memory_space<vmem>> -> memref<1x80x128xf32, #tpu.memory_space<vmem>>
    %dma_start3A_727 = tpu.memref_squeeze %dma_start3A_726 : memref<1x80x128xf32, #tpu.memory_space<vmem>> -> memref<80x128xf32, #tpu.memory_space<vmem>>
    %dma_start3A_728 = arith.constant 0 : i32
    %dma_start3A_729 = arith.constant 0 : i32
    %dma_start3A_730 = tpu.memref_slice %arg6[%dma_start3A_721, %dma_start3A_728, %dma_start3A_729] : memref<3x2x80xi32, #tpu.memory_space<vmem>> -> memref<1x2x80xi32, #tpu.memory_space<vmem>>
    %dma_start3A_731 = tpu.memref_squeeze %dma_start3A_730 : memref<1x2x80xi32, #tpu.memory_space<vmem>> -> memref<2x80xi32, #tpu.memory_space<vmem>>
    %dma_start3A_732 = arith.constant 0 : i32
    %dma_start3A_733 = tpu.memref_slice %dma_start3A_731[%dma_start3A_722, %dma_start3A_732] : memref<2x80xi32, #tpu.memory_space<vmem>> -> memref<1x80xi32, #tpu.memory_space<vmem>>
    %dma_start3A_734 = tpu.memref_squeeze %dma_start3A_733 : memref<1x80xi32, #tpu.memory_space<vmem>> -> memref<80xi32, #tpu.memory_space<vmem>>
    %dma_start3A_735 = arith.constant 0 : i32
    %dma_start3A_736 = arith.constant 0 : i32
    %dma_start3A_737 = tpu.memref_slice %arg8[%dma_start3A_735, %dma_start3A_736] : memref<10000x128xf32, #tpu.memory_space<vmem_shared>> -> memref<10000x128xf32, #tpu.memory_space<vmem_shared>>
    %dma_start3A_738 = tpu.memref_slice %arg11[%dma_start3A_723] : memref<3x!tpu.dma_semaphore, #tpu.memory_space<semaphore_mem>> -> memref<1x!tpu.dma_semaphore, #tpu.memory_space<semaphore_mem>>
    %dma_start3A_739 = tpu.memref_squeeze %dma_start3A_738 : memref<1x!tpu.dma_semaphore, #tpu.memory_space<semaphore_mem>> -> memref<!tpu.dma_semaphore, #tpu.memory_space<semaphore_mem>>
    tpu.enqueue_indirect_dma source(%dma_start3A_727 : memref<80x128xf32, #tpu.memory_space<vmem>>) target(%dma_start3A_737 : memref<10000x128xf32, #tpu.memory_space<vmem_shared>>) offsets(%dma_start3A_734 : memref<80xi32, #tpu.memory_space<vmem>>) semaphore(%dma_start3A_739 : memref<!tpu.dma_semaphore, #tpu.memory_space<semaphore_mem>>) {add = true}
    %dma_wait3A_740 = arith.constant 1 : i32
    %dma_wait3A_741 = arith.constant 1 : i32
    %dma_wait3A_742 = arith.constant 1 : i32
    %dma_wait3A_743 = arith.constant 1 : i32
    %dma_wait3A_744 = arith.constant 0 : i32
    %dma_wait3A_745 = arith.constant 0 : i32
    %dma_wait3A_746 = tpu.memref_slice %arg7[%dma_wait3A_740, %dma_wait3A_744, %dma_wait3A_745] : memref<3x80x128xf32, #tpu.memory_space<vmem>> -> memref<1x80x128xf32, #tpu.memory_space<vmem>>
    %dma_wait3A_747 = tpu.memref_squeeze %dma_wait3A_746 : memref<1x80x128xf32, #tpu.memory_space<vmem>> -> memref<80x128xf32, #tpu.memory_space<vmem>>
    %dma_wait3A_748 = arith.constant 0 : i32
    %dma_wait3A_749 = arith.constant 0 : i32
    %dma_wait3A_750 = tpu.memref_slice %arg6[%dma_wait3A_741, %dma_wait3A_748, %dma_wait3A_749] : memref<3x2x80xi32, #tpu.memory_space<vmem>> -> memref<1x2x80xi32, #tpu.memory_space<vmem>>
    %dma_wait3A_751 = tpu.memref_squeeze %dma_wait3A_750 : memref<1x2x80xi32, #tpu.memory_space<vmem>> -> memref<2x80xi32, #tpu.memory_space<vmem>>
    %dma_wait3A_752 = arith.constant 0 : i32
    %dma_wait3A_753 = tpu.memref_slice %dma_wait3A_751[%dma_wait3A_742, %dma_wait3A_752] : memref<2x80xi32, #tpu.memory_space<vmem>> -> memref<1x80xi32, #tpu.memory_space<vmem>>
    %dma_wait3A_754 = tpu.memref_squeeze %dma_wait3A_753 : memref<1x80xi32, #tpu.memory_space<vmem>> -> memref<80xi32, #tpu.memory_space<vmem>>
    %dma_wait3A_755 = arith.constant 0 : i32
    %dma_wait3A_756 = arith.constant 0 : i32
    %dma_wait3A_757 = tpu.memref_slice %arg8[%dma_wait3A_755, %dma_wait3A_756] : memref<10000x128xf32, #tpu.memory_space<vmem_shared>> -> memref<10000x128xf32, #tpu.memory_space<vmem_shared>>
    %dma_wait3A_758 = tpu.memref_slice %arg11[%dma_wait3A_743] : memref<3x!tpu.dma_semaphore, #tpu.memory_space<semaphore_mem>> -> memref<1x!tpu.dma_semaphore, #tpu.memory_space<semaphore_mem>>
    %dma_wait3A_759 = tpu.memref_squeeze %dma_wait3A_758 : memref<1x!tpu.dma_semaphore, #tpu.memory_space<semaphore_mem>> -> memref<!tpu.dma_semaphore, #tpu.memory_space<semaphore_mem>>
    tpu.wait_indirect_dma semaphore(%dma_wait3A_759 : memref<!tpu.dma_semaphore, #tpu.memory_space<semaphore_mem>>) src(%dma_wait3A_747 : memref<80x128xf32, #tpu.memory_space<vmem>>) dst(%dma_wait3A_757 : memref<10000x128xf32, #tpu.memory_space<vmem_shared>>)
    %barrier3A_760 = arith.constant 0 : index
    tpu.barrier barrier_id(%barrier3A_760)
    %while3A_761 = arith.constant 0 : i32
    %while3A_762 = arith.constant 0 : i32
    %while3A_763 = arith.subi %select_n3A, %while3A_761 : i32
    %while3A_764 = arith.addi %while3A_761, %while3A_763 : i32
    %while3A_765 = arith.constant 1 : i32
    %while3A_766 = arith.divsi %while3A_763, %while3A_765 : i32
    %while3A_767 = arith.muli %while3A_766, %while3A_765 : i32
    %while3A_768 = arith.addi %while3A_761, %while3A_767 : i32
    %while3A_769 = arith.constant 1 : i32
    %while3A_770 = scf.for %while3A_785 = %while3A_761 to %while3A_768 step %while3A_769 iter_args(%while3A_786 = %while3A_762) -> (i32)  : i32 {
      %mul3A_787 = arith.constant 16 : i32
      %mul3A_788 = arith.muli %while3A_785, %mul3A_787 : i32
      %add3A_789 = arith.addi %arg1, %mul3A_788 : i32
      %mul3A_790 = arith.constant 1000 : i32
      %mul3A_791 = arith.muli %add3A_789, %mul3A_790 : i32
      %mul3A_792 = arith.constant 1000 : i32
      %mul3A_793 = arith.muli %add3A_789, %mul3A_792 : i32
      %dma_start3A_794 = arith.constant 0 : i32
      %dma_start3A_795 = arith.constant 0 : i32
      %dma_start3A_796 = tpu.memref_slice %arg5[%arg0, %dma_start3A_794, %dma_start3A_795] : memref<2x10000x128xf32, #tpu.memory_space<hbm>> -> memref<1x10000x128xf32, #tpu.memory_space<hbm>>
      %dma_start3A_797 = tpu.memref_squeeze %dma_start3A_796 : memref<1x10000x128xf32, #tpu.memory_space<hbm>> -> memref<10000x128xf32, #tpu.memory_space<hbm>>
      %dma_start3A_798 = arith.constant 0 : i32
      %dma_start3A_799 = tpu.memref_slice %dma_start3A_797[%mul3A_793, %dma_start3A_798] : memref<10000x128xf32, #tpu.memory_space<hbm>> -> memref<1000x128xf32, #tpu.memory_space<hbm>>
      %dma_start3A_800 = arith.constant 0 : i32
      %dma_start3A_801 = tpu.memref_slice %arg8[%mul3A_791, %dma_start3A_800] : memref<10000x128xf32, #tpu.memory_space<vmem_shared>> -> memref<1000x128xf32, #tpu.memory_space<vmem_shared>>
      tpu.enqueue_dma source(%dma_start3A_801 : memref<1000x128xf32, #tpu.memory_space<vmem_shared>>) target(%dma_start3A_799 : memref<1000x128xf32, #tpu.memory_space<hbm>>) target_semaphore(%arg12 : memref<!tpu.dma_semaphore, #tpu.memory_space<semaphore_mem>>)
      %while3A_802 = arith.constant 0 : i32
      scf.yield %while3A_802 : i32
    }
    %while3A_771 = arith.constant 1 : i32
    %while3A_772 = scf.for %while3A_785 = %while3A_768 to %while3A_764 step %while3A_771 iter_args(%while3A_786 = %while3A_770) -> (i32)  : i32 {
      %mul3A_787 = arith.constant 16 : i32
      %mul3A_788 = arith.muli %while3A_785, %mul3A_787 : i32
      %add3A_789 = arith.addi %arg1, %mul3A_788 : i32
      %mul3A_790 = arith.constant 1000 : i32
      %mul3A_791 = arith.muli %add3A_789, %mul3A_790 : i32
      %mul3A_792 = arith.constant 1000 : i32
      %mul3A_793 = arith.muli %add3A_789, %mul3A_792 : i32
      %dma_start3A_794 = arith.constant 0 : i32
      %dma_start3A_795 = arith.constant 0 : i32
      %dma_start3A_796 = tpu.memref_slice %arg5[%arg0, %dma_start3A_794, %dma_start3A_795] : memref<2x10000x128xf32, #tpu.memory_space<hbm>> -> memref<1x10000x128xf32, #tpu.memory_space<hbm>>
      %dma_start3A_797 = tpu.memref_squeeze %dma_start3A_796 : memref<1x10000x128xf32, #tpu.memory_space<hbm>> -> memref<10000x128xf32, #tpu.memory_space<hbm>>
      %dma_start3A_798 = arith.constant 0 : i32
      %dma_start3A_799 = tpu.memref_slice %dma_start3A_797[%mul3A_793, %dma_start3A_798] : memref<10000x128xf32, #tpu.memory_space<hbm>> -> memref<1000x128xf32, #tpu.memory_space<hbm>>
      %dma_start3A_800 = arith.constant 0 : i32
      %dma_start3A_801 = tpu.memref_slice %arg8[%mul3A_791, %dma_start3A_800] : memref<10000x128xf32, #tpu.memory_space<vmem_shared>> -> memref<1000x128xf32, #tpu.memory_space<vmem_shared>>
      tpu.enqueue_dma source(%dma_start3A_801 : memref<1000x128xf32, #tpu.memory_space<vmem_shared>>) target(%dma_start3A_799 : memref<1000x128xf32, #tpu.memory_space<hbm>>) target_semaphore(%arg12 : memref<!tpu.dma_semaphore, #tpu.memory_space<semaphore_mem>>)
      %while3A_802 = arith.constant 0 : i32
      scf.yield %while3A_802 : i32
    }
    %while3A_773 = arith.constant 0 : i32
    %while3A_774 = arith.constant 0 : i32
    %while3A_775 = arith.subi %select_n3A, %while3A_773 : i32
    %while3A_776 = arith.addi %while3A_773, %while3A_775 : i32
    %while3A_777 = arith.constant 1 : i32
    %while3A_778 = arith.divsi %while3A_775, %while3A_777 : i32
    %while3A_779 = arith.muli %while3A_778, %while3A_777 : i32
    %while3A_780 = arith.addi %while3A_773, %while3A_779 : i32
    %while3A_781 = arith.constant 1 : i32
    %while3A_782 = scf.for %while3A_785 = %while3A_773 to %while3A_780 step %while3A_781 iter_args(%while3A_786 = %while3A_774) -> (i32)  : i32 {
      %mul3A_787 = arith.constant 1000 : i32
      %mul3A_788 = arith.muli %arg1, %mul3A_787 : i32
      %mul3A_789 = arith.constant 1000 : i32
      %mul3A_790 = arith.muli %arg1, %mul3A_789 : i32
      %dma_wait3A_791 = arith.constant 0 : i32
      %dma_wait3A_792 = arith.constant 0 : i32
      %dma_wait3A_793 = tpu.memref_slice %arg5[%arg0, %dma_wait3A_791, %dma_wait3A_792] : memref<2x10000x128xf32, #tpu.memory_space<hbm>> -> memref<1x10000x128xf32, #tpu.memory_space<hbm>>
      %dma_wait3A_794 = tpu.memref_squeeze %dma_wait3A_793 : memref<1x10000x128xf32, #tpu.memory_space<hbm>> -> memref<10000x128xf32, #tpu.memory_space<hbm>>
      %dma_wait3A_795 = arith.constant 0 : i32
      %dma_wait3A_796 = tpu.memref_slice %dma_wait3A_794[%mul3A_790, %dma_wait3A_795] : memref<10000x128xf32, #tpu.memory_space<hbm>> -> memref<1000x128xf32, #tpu.memory_space<hbm>>
      %dma_wait3A_797 = arith.constant 0 : i32
      %dma_wait3A_798 = tpu.memref_slice %arg8[%mul3A_788, %dma_wait3A_797] : memref<10000x128xf32, #tpu.memory_space<vmem_shared>> -> memref<1000x128xf32, #tpu.memory_space<vmem_shared>>
      tpu.wait_dma2 semaphore(%arg12 : memref<!tpu.dma_semaphore, #tpu.memory_space<semaphore_mem>>) src(%dma_wait3A_798 : memref<1000x128xf32, #tpu.memory_space<vmem_shared>>) dst(%dma_wait3A_796 : memref<1000x128xf32, #tpu.memory_space<hbm>>)
      %while3A_799 = arith.constant 0 : i32
      scf.yield %while3A_799 : i32
    }
    %while3A_783 = arith.constant 1 : i32
    %while3A_784 = scf.for %while3A_785 = %while3A_780 to %while3A_776 step %while3A_783 iter_args(%while3A_786 = %while3A_782) -> (i32)  : i32 {
      %mul3A_787 = arith.constant 1000 : i32
      %mul3A_788 = arith.muli %arg1, %mul3A_787 : i32
      %mul3A_789 = arith.constant 1000 : i32
      %mul3A_790 = arith.muli %arg1, %mul3A_789 : i32
      %dma_wait3A_791 = arith.constant 0 : i32
      %dma_wait3A_792 = arith.constant 0 : i32
      %dma_wait3A_793 = tpu.memref_slice %arg5[%arg0, %dma_wait3A_791, %dma_wait3A_792] : memref<2x10000x128xf32, #tpu.memory_space<hbm>> -> memref<1x10000x128xf32, #tpu.memory_space<hbm>>
      %dma_wait3A_794 = tpu.memref_squeeze %dma_wait3A_793 : memref<1x10000x128xf32, #tpu.memory_space<hbm>> -> memref<10000x128xf32, #tpu.memory_space<hbm>>
      %dma_wait3A_795 = arith.constant 0 : i32
      %dma_wait3A_796 = tpu.memref_slice %dma_wait3A_794[%mul3A_790, %dma_wait3A_795] : memref<10000x128xf32, #tpu.memory_space<hbm>> -> memref<1000x128xf32, #tpu.memory_space<hbm>>
      %dma_wait3A_797 = arith.constant 0 : i32
      %dma_wait3A_798 = tpu.memref_slice %arg8[%mul3A_788, %dma_wait3A_797] : memref<10000x128xf32, #tpu.memory_space<vmem_shared>> -> memref<1000x128xf32, #tpu.memory_space<vmem_shared>>
      tpu.wait_dma2 semaphore(%arg12 : memref<!tpu.dma_semaphore, #tpu.memory_space<semaphore_mem>>) src(%dma_wait3A_798 : memref<1000x128xf32, #tpu.memory_space<vmem_shared>>) dst(%dma_wait3A_796 : memref<1000x128xf32, #tpu.memory_space<hbm>>)
      %while3A_799 = arith.constant 0 : i32
      scf.yield %while3A_799 : i32
    }
    return
  }
}

module attributes {stable_mosaic.version = 14 : i64} {
  func.func @body(%arg0: i32, %arg1: memref<1xf32, #tpu.memory_space<smem>>, %arg2: memref<2x1000x128xf32, #tpu.memory_space<vmem>>, %arg3: memref<1000x128xf32, #tpu.memory_space<vmem>>, %arg4: memref<128x128xf32, #tpu.memory_space<vmem>>, %arg5: memref<1x128xf32, #tpu.memory_space<vmem>>, %arg6: memref<1000x128xf32, #tpu.memory_space<vmem>>) attributes {dimension_semantics = [#tpu.dimension_semantics<arbitrary>], iteration_bounds = array<i64: 10>, scalar_prefetch = 0 : i64, scratch_operands = 0 : i64, tpu.core_type = #tpu.core_type<tc>, window_params = [{transform_indices = @transform_0, window_bounds = array<i64: 1>}, {transform_indices = @transform_1, window_bounds = array<i64: 2, 1000, 128>}, {transform_indices = @transform_2, window_bounds = array<i64: 1000, 128>}, {pipeline_mode = #tpu.pipeline_mode<synchronous>, transform_indices = @transform_3, window_bounds = array<i64: 128, 128>}, {pipeline_mode = #tpu.pipeline_mode<synchronous>, transform_indices = @transform_4, window_bounds = array<i64: 1, 128>}, {transform_indices = @transform_5, window_bounds = array<i64: 1000, 128>}]} {
    %get3A = arith.constant 0 : index
    %get3A_0 = arith.constant 0 : index
    %get3A_1 = vector.load %arg3[%get3A, %get3A_0] : memref<1000x128xf32, #tpu.memory_space<vmem>>, vector<1000x128xf32>
    %get3A_2 = arith.constant 0 : index
    %get3A_3 = memref.load %arg1[%get3A_2] : memref<1xf32, #tpu.memory_space<smem>>
    %add3A = arith.constant 1.000000e+00 : f32
    %add3A_4 = arith.addf %add3A, %get3A_3 : f32
    %mul3A = vector.broadcast %add3A_4 : f32 to vector<1000x128xf32>
    %mul3A_5 = arith.mulf %get3A_1, %mul3A : vector<1000x128xf32>
    %get3A_6 = arith.constant 0 : index
    %get3A_7 = arith.constant 0 : index
    %get3A_8 = arith.constant 0 : index
    %get3A_9 = vector.load %arg2[%get3A_6, %get3A_7, %get3A_8] : memref<2x1000x128xf32, #tpu.memory_space<vmem>>, vector<1x1000x128xf32>
    %get3A_10 = vector.shape_cast %get3A_9 : vector<1x1000x128xf32> to vector<1000x128xf32>
    %add3A_11 = arith.addf %mul3A_5, %get3A_10 : vector<1000x128xf32>
    %get3A_12 = arith.constant 1 : index
    %get3A_13 = arith.constant 0 : index
    %get3A_14 = arith.constant 0 : index
    %get3A_15 = vector.load %arg2[%get3A_12, %get3A_13, %get3A_14] : memref<2x1000x128xf32, #tpu.memory_space<vmem>>, vector<1x1000x128xf32>
    %get3A_16 = vector.shape_cast %get3A_15 : vector<1x1000x128xf32> to vector<1000x128xf32>
    %add3A_17 = arith.addf %add3A_11, %get3A_16 : vector<1000x128xf32>
    %get3A_18 = arith.constant 0 : index
    %get3A_19 = arith.constant 0 : index
    %get3A_20 = vector.load %arg4[%get3A_18, %get3A_19] : memref<128x128xf32, #tpu.memory_space<vmem>>, vector<128x128xf32>
    %dot_general3A = arith.constant dense<0.000000e+00> : vector<1000x128xf32>
    %dot_general3A_21 = tpu.matmul %add3A_17, %get3A_20, %dot_general3A {dimension_numbers = #tpu.dot_dimension_numbers<[1], [1], [0], [0], [0, 0, 1, 0], [], []>, transpose_lhs_hint = false} : vector<1000x128xf32>, vector<128x128xf32>, vector<1000x128xf32> -> vector<1000x128xf32>
    %get3A_22 = arith.constant 0 : index
    %get3A_23 = arith.constant 0 : index
    %get3A_24 = vector.load %arg5[%get3A_22, %get3A_23] : memref<1x128xf32, #tpu.memory_space<vmem>>, vector<1x128xf32>
    %add3A_25 = vector.broadcast %get3A_24 : vector<1x128xf32> to vector<1000x128xf32>
    %add3A_26 = arith.addf %dot_general3A_21, %add3A_25 : vector<1000x128xf32>
    %swap3A = arith.constant 0 : index
    %swap3A_27 = arith.constant 0 : index
    %swap3A_28 = vector.load %arg6[%swap3A, %swap3A_27] : memref<1000x128xf32, #tpu.memory_space<vmem>>, vector<1000x128xf32>
    tpu.vector_store %arg6[%swap3A, %swap3A_27], %add3A_26 {strides = array<i32>} : memref<1000x128xf32, #tpu.memory_space<vmem>>, vector<1000x128xf32>,
    return
  }
  func.func @transform_0(%arg0: i32) -> i32 {
    %c0_i32 = arith.constant 0 : i32
    %c0_i32_0 = arith.constant 0 : i32
    return %c0_i32 : i32
  }
  func.func @transform_1(%arg0: i32) -> (i32, i32, i32) {
    %c0_i32 = arith.constant 0 : i32
    %c0_i32_0 = arith.constant 0 : i32
    %c0_i32_1 = arith.constant 0 : i32
    return %c0_i32, %arg0, %c0_i32_0 : i32, i32, i32
  }
  func.func @transform_2(%arg0: i32) -> (i32, i32) {
    %c0_i32 = arith.constant 0 : i32
    %c0_i32_0 = arith.constant 0 : i32
    return %arg0, %c0_i32 : i32, i32
  }
  func.func @transform_3(%arg0: i32) -> (i32, i32) {
    %c0_i32 = arith.constant 0 : i32
    %c0_i32_0 = arith.constant 0 : i32
    %c0_i32_1 = arith.constant 0 : i32
    return %c0_i32, %c0_i32_0 : i32, i32
  }
  func.func @transform_4(%arg0: i32) -> (i32, i32) {
    %c0_i32 = arith.constant 0 : i32
    %c0_i32_0 = arith.constant 0 : i32
    %c0_i32_1 = arith.constant 0 : i32
    return %c0_i32, %c0_i32_0 : i32, i32
  }
  func.func @transform_5(%arg0: i32) -> (i32, i32) {
    %c0_i32 = arith.constant 0 : i32
    %c0_i32_0 = arith.constant 0 : i32
    return %arg0, %c0_i32 : i32, i32
  }
}

</mosaic_0001>

<sc_bundles>
// kernel: kernel.4.cloned.1.call-start
scs
__scs_entry_jumppad:
0x0: {  	(pc) =	sbr.rel $0x88, $3  }
0x1: {  	(tag) =	ssettag $0x0;
	lr =	simm.s32 $0x1  }
0x2: {  	[smem:$0x3F9C] =	sst lr;
	_ =	strace $0xD0000000  }
0x3: {  	_ = 	snop  }
0x4: {  	_ = 	snop  }
0x5: {  	_ = 	snop  }
0x6: {  	_ = 	snop  }
0x7: {  	_ = 	snop  }
__scs_overlays_trampoline_lowered:
0x8: {  	[smem:$0x3FAB] =	sst s0  }
0x9: {  	[smem:$0x3FAC] =	sst s1  }
0xa: {  	[smem:$0x3FAD] =	sst s2  }
0xb: {  	[smem:$0x3FAE] =	sst s3  }
0xc: {  	[smem:$0x3FAF] =	sst s4  }
0xd: {  	[smem:$0x3FB0] =	sst s5  }
0xe: {  	[smem:$0x3FB1] =	sst s6  }
0xf: {  	[smem:$0x3FB2] =	sst s7  }
0x10: {  	[smem:$0x3FB3] =	sst s8  }
0x11: {  	[smem:$0x3FB4] =	sst s9;
	s0 =	simm.s32 @!p0 $0x0  }
0x12: {  	s1 =	sld [smem:$0x3F9A];
	s0 =	simm.s32 @p0 $0x1  }
0x13: {  	[smem:$0x3FB5] =	sst s0;
	s0 =	simm.s32 @!p1 $0x0  }
0x14: {  	s2 =	sld [smem:$0x3F99];
	s0 =	simm.s32 @p1 $0x1  }
0x15: {  	[smem:$0x3FB6] =	sst s0;
	s0 =	simm.s32 @!p2 $0x0  }
0x16: {  	s3 =	sld [smem:$0x3FDB];
	s0 =	simm.s32 @p2 $0x1  }
0x17: {  	s4 =	simm.s32 $0x1BF5;
	[smem:$0x3FB8] =	sst s0  }
0x18: {  	s0 =	sld [smem:$0x3F9B];
	_ =	swait.ge [sflag:s4], $0x0  }
0x19: {  	s7 =	sld [smem:$0x3F9C]  }
0x1a: {  	s8 =	sadd.s32 $0xFFFFE003, lr  }
0x1b: {  	s9 =	sadd.s32 $0xFFFFFEF7, lr;
	s5 =	simm.s32 $0xFFFFFFFF;
	p2 =	slt.u32 s8, $0xFFFFF086  }
0x1c: {  	p1 =	slt.u32 s9, $0xF7A;
	s5 =	simm.s32 @!p2 $0x0  }
0x1d: {  	s5 =	simm.s32 @p1 $0x1;
	p0 =	seq.s32 s7, s2  }
0x1e: {  	s7 =	smul.u32 @!p0 $0xF7A, s2;
	p2 =	seq.s32 @!p0 s5, $0x0  }
0x1f: {  	s9 =	smul.u32 $0xF7A, s1;
	s8 =	simm.s32 @!p0 $0x1BF5;
	p2 =	por !p2, p0  }
0x20: {  	[sflag:s8] =	ssyncset.s32 @!p0 $0xFFFFF086;
	s6 =	sadd.s32 @!p0 s3, s7;
	s7 =	simm.s32 @!p0 $0x108  }
0x21: {  	s3 =	sadd.s32 s3, s9;
	s6 =	sadd.s32 @!p0 $0x88, s6;
	s7 =	simm.s32 @p2 $0x1082  }
0x22: {  	[simem:s7], [sflag:s8] =	dma.local @!p0 [hbm:s6], $0xF7A  }
0x23: {  	s9 =	sor.u32 $0xD0000000, s2;
	s6 =	simm.s32 $0x108;
	_ =	swait.ge @!p0 [sflag:s8], $0x0  }
0x24: {  	s3 =	sadd.s32 $0x88, s3;
	s6 =	simm.s32 @!p1 $0x1082;
	[sflag:s4] =	ssyncset.s32 $0xFFFFF086  }
0x25: {  	[simem:s6], [sflag:s4] =	dma.local [hbm:s3], $0xF7A  }
0x26: {  	[smem:$0x3F9C] =	sst s1;
	(tag) =	ssettag s2;
	_ =	strace s9  }
0x27: {  	s1 =	sld [smem:$0x3FAC]  }
0x28: {  	s2 =	sld [smem:$0x3FAD]  }
0x29: {  	s4 =	sld [smem:$0x3FAF]  }
0x2a: {  	p0 =	seq.s32 s5, $0x0;
	s5 =	sld [smem:$0x3FB0]  }
0x2b: {  	s6 =	sld [smem:$0x3FB1]  }
0x2c: {  	s7 =	sld [smem:$0x3FB2]  }
0x2d: {  	s3 =	simm.s32 $0x108;
	s8 =	sld [smem:$0x3FB3]  }
0x2e: {  	s3 =	simm.s32 @!p0 $0x1082;
	s9 =	sld [smem:$0x3FB4]  }
0x2f: {  	lr =	sadd.s32 s0, s3;
	s0 =	sld [smem:$0x3FAB]  }
0x30: {  	s3 =	sld [smem:$0x3FAE]  }
0x31: {  	[smem:$0x3FB7] =	sst s10  }
0x32: {  	s10 =	sld [smem:$0x3FB5];
	_ =	sdelay $0x3  }
0x33: {  	p0 =	seq.s32 s10, $0x1;
	s10 =	sld [smem:$0x3FB7];
	_ =	sdelay $0x3  }
0x34: {  	[smem:$0x3FB7] =	sst s10  }
0x35: {  	s10 =	sld [smem:$0x3FB6];
	_ =	sdelay $0x3  }
0x36: {  	p1 =	seq.s32 s10, $0x1;
	s10 =	sld [smem:$0x3FB7];
	_ =	sdelay $0x3  }
0x37: {  	[smem:$0x3FB7] =	sst s10  }
0x38: {  	s10 =	sld [smem:$0x3FB8]  }
0x39: {  	_ = 	snop;
	(pc) =	sbr.ind lr, $3  }
0x3a: {  	_ = 	snop  }
0x3b: {  	_ = 	snop  }
0x3c: {  	p2 =	seq.s32 s10, $0x1;
	s10 =	sld [smem:$0x3FB7]  }
0x3d: {  	_ =	shalt  }
0x3e: {  	_ =	shalt  }
0x3f: {  	_ =	shalt  }
0x40: {  	_ =	shalt  }
0x41: {  	_ =	shalt  }
0x42: {  	_ =	shalt  }
0x43: {  	_ =	shalt  }
0x44: {  	_ =	shalt  }
0x45: {  	_ =	shalt  }
0x46: {  	_ =	shalt  }
0x47: {  	_ =	shalt  }
0x48: {  	_ =	shalt  }
0x49: {  	_ =	shalt  }
0x4a: {  	_ =	shalt  }
0x4b: {  	_ =	shalt  }
0x4c: {  	_ =	shalt  }
0x4d: {  	_ =	shalt  }
0x4e: {  	_ =	shalt  }
0x4f: {  	_ =	shalt  }
0x50: {  	_ =	shalt  }
0x51: {  	_ =	shalt  }
0x52: {  	_ =	shalt  }
0x53: {  	_ =	shalt  }
0x54: {  	_ =	shalt  }
0x55: {  	_ =	shalt  }
0x56: {  	_ =	shalt  }
0x57: {  	_ =	shalt  }
0x58: {  	_ =	shalt  }
0x59: {  	_ =	shalt  }
0x5a: {  	_ =	shalt  }
0x5b: {  	_ =	shalt  }
0x5c: {  	_ =	shalt  }
0x5d: {  	_ =	shalt  }
0x5e: {  	_ =	shalt  }
0x5f: {  	_ =	shalt  }
0x60: {  	_ =	shalt  }
0x61: {  	_ =	shalt  }
0x62: {  	_ =	shalt  }
0x63: {  	_ =	shalt  }
0x64: {  	_ =	shalt  }
0x65: {  	_ =	shalt  }
0x66: {  	_ =	shalt  }
0x67: {  	_ =	shalt  }
0x68: {  	_ =	shalt  }
0x69: {  	_ =	shalt  }
0x6a: {  	_ =	shalt  }
0x6b: {  	_ =	shalt  }
0x6c: {  	_ =	shalt  }
0x6d: {  	_ =	shalt  }
0x6e: {  	_ =	shalt  }
0x6f: {  	_ =	shalt  }
0x70: {  	_ =	shalt  }
0x71: {  	_ =	shalt  }
0x72: {  	_ =	shalt  }
0x73: {  	_ =	shalt  }
0x74: {  	_ =	shalt  }
0x75: {  	_ =	shalt  }
0x76: {  	_ =	shalt  }
0x77: {  	_ =	shalt  }
0x78: {  	_ =	shalt  }
0x79: {  	_ =	shalt  }
0x7a: {  	_ =	shalt  }
0x7b: {  	_ =	shalt  }
0x7c: {  	_ =	shalt  }
0x7d: {  	_ =	shalt  }
0x7e: {  	_ =	shalt  }
0x7f: {  	_ =	shalt  }
0x80: {  	_ =	shalt  }
0x81: {  	_ =	shalt  }
0x82: {  	_ =	shalt  }
0x83: {  	_ =	shalt  }
0x84: {  	_ =	shalt  }
0x85: {  	_ =	shalt  }
0x86: {  	_ =	shalt  }
0x87: {  	_ =	shalt  }
.Lfunc_end0:
.L_simem_size_0:
called_computation_lowered:
.L_overlay_start_0:
0x88: {  	s2 =	sld [smem:$0x3FD9]  }
0x89: {  	s3 =	sld [smem:$0x3FFE];
	_ =	sdelay $0x1  }
0x8a: {  	s1 =	srdreg.scid  }
0x8b: {  	s0 =	sand.u32 $0x1, s1  }
0x8c: {  	s17 =	sshll.u32 s0, $0xA;
	s2 =	sadd.s32 s3, s2  }
0x8d: {  	s2 =	sadd.s32 s2, s17  }
0x8e: {  	[smem:$0x3FC3] =	sst s2  }
0x8f: {  	_ = 	snop  }
0x90: {  	s2 =	sld [smem:$0x3FC9]  }
0x91: {  	s18 =	sld [smem:$0x3FD0];
	(tm) =	ssettm $0x1  }
0x92: {  	s4 =	sld [smem:$0x3FFB];
	_ =	sdelay $0x3  }
0x93: {  	_ =	strace s4  }
0x94: {  	s4 =	sld [smem:$0x3FFC];
	_ =	sdelay $0x3  }
0x95: {  	_ =	strace s4  }
0x96: {  	s4 =	sld [smem:$0x3FFD];
	_ =	sdelay $0x3  }
0x97: {  	_ =	strace s4  }
0x98: {  	_ =	strace $0x8FFFFFFF  }
0x99: {  	s19 =	sld [smem:$0x3FDB];
	_ =	sdelay $0x1  }
0x9a: {  	s5 =	simm.s32 $_scs_section_size  }
0x9b: {  	s6 =	simm.s32 $_size__tile_overlayer_lowered;
	s7 =	simm.s32 $_tile_overlayer_lowered  }
0x9c: {  	s22 =	simm.s32 $0x1BFF;
	s21 =	sshll.u32 s7, $0x1;
	s4 =	sadd.s32 s5, s19  }
0x9d: {  	s8 =	simm.s32 $0x0;
	s20 =	sshll.u32 s6, $0x1;
	s6 =	sadd.s32 s21, s4  }
0x9e: {  	[timem:s8], [sflag:s22] =	dma.local [hbm:s6], s20  }
0x9f: {  	_ =	swait.ge [sflag:s22], s20  }
0xa0: {  	s5 =	ssub.s32 $0x0, s20;
	[sflag:s22] =	ssyncset.done $0x0  }
0xa1: {  	[sflag:s22] =	ssyncadd.s32 s5;
	_ =	sdelay $0x1  }
0xa2: {  	s23 =	simm.s32 $0x1B8B  }
0xa3: {  	_ =	swait.ge [sflag:s23], $0x1  }
0xa4: {  	[sflag:s23] =	ssyncset.done $0x0  }
0xa5: {  	s25 =	simm.s32 $0x1B8E;
	s24 =	sld [smem:$0x3FFE];
	[sflag:s23] =	ssyncadd.s32 $0xFFFFFFFF  }
0xa6: {  	s26 =	simm.s32 $execute0_lowered;
	[smem:$0x3FD2] =	sst s25  }
0xa7: {  	s6 =	sshll.u32 s26, $0x1;
	_ =	strace $0x80000046;
	[dreg:$0x1] =	wrdreg $0xFFFFFFFF  }
0xa8: {  	s28 =	simm.s32 $_size_execute0_lowered;
	s4 =	sadd.s32 s4, s6;
	[dreg:$0x0] =	wrdreg $0x0  }
0xa9: {  	s6 =	sshll.u32 s28, $0x1;
	[dreg:$0x2] =	wrdreg s4  }
0xaa: {  	[dreg:$0x3] =	wrdreg s6  }
0xab: {  	[dreg:$0x4] =	wrdreg $0xC0  }
0xac: {  	_ =	task [dreg:s8], $0x5FFFF  }
0xad: {  	[dreg:$0x1] =	wrdreg $0xFFFFFFFF  }
0xae: {  	[dreg:$0x0] =	wrdreg $0x60  }
0xaf: {  	[dreg:$0x2] =	wrdreg s18  }
0xb0: {  	[dreg:$0x3] =	wrdreg s2  }
0xb1: {  	[dreg:$0x4] =	wrdreg s24  }
0xb2: {  	[dreg:$0x5] =	wrdreg $0x7B000  }
0xb3: {  	[dreg:$0x6] =	wrdreg $0x9  }
0xb4: {  	_ =	task.clear_ibuf [dreg:s8], $0x7FFFF;
	_ =	strace $0x90000046  }
0xb5: {  	s29 =	simm.s32 $0x9;
	_ =	strace $0x80000048  }
0xb6: {  	_ =	swait.ge [sflag:s29], $0x1  }
0xb7: {  	[sflag:s29] =	ssyncadd.s32 $0xFFFFFFFF  }
0xb8: {  	_ =	strace $0x90000048  }
0xb9: {  	_ =	sfence  }
0xba: {  	s30 =	sld [smem:$0x0];
	_ =	sdelay $0x2  }
0xbb: {  	s31 =	sshll.u32 s1, $0xD;
	s1 =	sshrl.u32 s1, $0x2  }
0xbc: {  	s3 =	sand.u32 $0x4000, s31;
	s1 =	sadd.s32 s1, s30  }
0xbd: {  	s0 =	sor.u32 s3, s0;
	s1 =	sshll.u32 s1, $0x11  }
0xbe: {  	s0 =	sor.u32 s1, s0  }
0xbf: {  	s0 =	sadd.s32 $0x8F2B, s0  }
0xc0: {  	[sflag:s0] =	ssyncadd.remote.s32 $0x1  }
0xc1: {  	_ =	sfence.sel $0xFFFF  }
0xc2: {  	[dreg:$0x0] =	wrdreg $0xFFFFFFFF;
	(pc) =	sbr.abs _section_cstart, $3  }
0xc3: {  	[dreg:$0x1] =	wrdreg $0xFFFFFFFF  }
0xc4: {  	_ =	task.clear_ibuf [dreg:s8], $0x2FFFF;
	_ =	strace $0x9FFFFFFF  }
0xc5: {  	(tm) =	ssettm $0x7FFFFFFF  }
tec
execute0_lowered:
.L_overlay_start_1:
0x0: {  	(tag) =	ssettag $0x1  }
0x1: {  	s0 =	rddreg [dreg:$0x0]  }
0x2: {  	s1 =	rddreg [dreg:$0x1]  }
0x3: {  	s4 =	rddreg [dreg:$0x2]  }
0x4: {  	s2 =	rddreg [dreg:$0x3];
	s3 =	simm.s32 $0x0  }
0x5: {  	s5 =	srdreg.scid;
	s10 =	stileid.u32;
	s11 =	simm.s32 $0x100  }
0x6: {  	s12 =	simm.s32 $0x1;
	s13 =	simm.s32 $0x50;
	s14 =	simm.s32 $0x300  }
0x7: {  	s15 =	simm.s32 $0x2;
	s16 =	simm.s32 $0x2B00;
	s18 =	simm.s32 $0x200  }
0x8: {  	s19 =	simm.s32 $0x4;
	s20 =	simm.s32 $0x80;
	s21 =	simm.s32 $0x3  }
0x9: {  	s22 =	simm.s32 $0x5300;
	s28 =	simm.s32 $0x9;
	s29 =	simm.s32 $0x5  }
0xa: {  	s31 =	simm.s32 $0x6;
	[smem:$0x7FF] =	sst s3;
	s5 =	sand.u32 $0x1, s5  }
0xb: {  	s7 =	sadd.s32 $0xA00, s4;
	s23 =	sshll.u32 s10, $0x1;
	s8 =	smul.u32 $0x7D000, s10  }
0xc: {  	p0 =	sgt.u32 s10, $0x9;
	_ =	strace $0x80000047;
	s6 =	smul.u32 $0x27100, s5  }
0xd: {  	[dreg:$0x5] =	wrdreg s7;
	s24 =	ssub.s32 $0x2, s5;
	s5 =	sor.u32 s5, s23  }
0xe: {  	s25 =	sshrl.u32 s24, $0x1;
	s8 =	sshrl.u32 s8, $0x2;
	s5 =	smul.u32 $0xFA0, s5  }
0xf: {  	s4 =	sadd.s32 s6, s4;
	s7 =	ssub.s32 s24, s25;
	s9 =	sadd.s32 s8, s2  }
0x10: {  	s25 =	simm.s32 $0x7;
	s6 =	sadd.s32 s0, s5;
	s4 =	sadd.s32 $0x4A00, s4  }
0x11: {  	s0 =	sshll.u32 @!p0 s10, $0x6;
	s5 =	smul.u32 $0x3E80, s10;
	s7 =	smax.u32 s7, $0x1  }
0x12: {  	s9 =	sshrl.u32 @!p0 s9, $0x3;
	[dreg:$0x6] =	wrdreg s7;
	s26 =	sadd.s32 $0x20, s6  }
0x13: {  	s8 =	sor.u32 @!p0 $0x1C0A, s0;
	s30 =	sadd.s32 $0x40, s6;
	[dreg:$0x7] =	wrdreg s26  }
0x14: {  	s0 =	sadd.s32 $0xA0, s6;
	[dreg:$0x8] =	wrdreg s30;
	s4 =	sadd.s32 @!p0 s5, s4  }
0x15: {  	s26 =	simm.s32 $0x8;
	[dreg:$0x9] =	wrdreg s4;
	s4 =	simm.s32 $0x0  }
.LBB2_1:
0x16: {  	s5 =	rddreg [dreg:$0x5]  }
0x17: {  	[spmem:s9], [sflag:s8] =	dma.local @!p0 [hbm:s5], $0x3E80  }
0x18: {  	s5 =	simm.s32 @!p0 $0xA  }
0x19: {  	_ =	swait.ge @!p0 [sflag:s5], $0x3E80  }
0x1a: {  	[sflag:s5] =	ssyncset.done @!p0 $0x0  }
0x1b: {  	[sflag:s5] =	ssyncadd.s32 @!p0 $0xFFFFC180  }
0x1c: {  	[bflag:$0x0] =	sbarrier.arrive $0xFFFF  }
0x1d: {  	[tilespmem:s3], [sflag:$0x1] =	stream.linear.gather [hbm4b:s6+s3], $0x100, $0x38;
	[tilespmem:$0x1B380] =	vst v63  }
0x1e: {  	s7 =	rddreg [dreg:$0x7]  }
0x1f: {  	[tilespmem:s11], [sflag:$0x2] =	stream.linear.gather [hbm4b:s7+s3], $0x100, $0x38;
	[tilespmem:$0x1B380] =	vst v63  }
0x20: {  	_ =	swait.ge [sflag:s12], $0x100  }
0x21: {  	[sflag:s12] =	ssyncset.done $0x0  }
0x22: {  	[sflag:s12] =	ssyncadd.s32 $0xFFFFFF00  }
0x23: {  	[tilespmem:s14], [sflag:$0x4] =	stream.indirect.gather [hbm4b:s1+s13], $0x80, s3, s13, $0xb8;
	[tilespmem:$0x1B380] =	vst v63  }
0x24: {  	_ =	swait.ge [sflag:s15], $0x100  }
0x25: {  	[sflag:s15] =	ssyncset.done $0x0  }
0x26: {  	[sflag:s15] =	ssyncadd.s32 $0xFFFFFF00  }
0x27: {  	[tilespmem:s16], [sflag:$0x5] =	stream.indirect.gather [hbm4b:s1+s13], $0x80, s11, s13, $0xb8;
	[tilespmem:$0x1B380] =	vst v63  }
0x28: {  	s5 =	smul.u32 $0x3, s3;
	s10 =	rddreg [dreg:$0x8]  }
0x29: {  	[tilespmem:s18], [sflag:$0x3] =	stream.linear.gather [hbm4b:s10+s3], $0x100, $0x38;
	[tilespmem:$0x1B380] =	vst v63  }
0x2a: {  	s23 =	sadd.s32 $0x1, s5;
	_ =	swait.ge [sflag:s19], $0x2800  }
0x2b: {  	s7 =	sand.u32 $0xFF, s23;
	[sflag:s19] =	ssyncset.done $0x0  }
0x2c: {  	s7 =	smul.u32 $0xAB, s7;
	[sflag:s19] =	ssyncadd.s32 $0xFFFFD800  }
0x2d: {  	[spmem:s2] =	stream.indirect.scatter.add.f32 [tilespmem:s14], [sflag:$0x7], $0x80, s20, s13, $0xb8;
	[tilespmem:$0x1B380] =	vst v63  }
0x2e: {  	_ =	swait.ge [sflag:s21], $0x100  }
0x2f: {  	s7 =	sshrl.u32 s7, $0x9;
	[sflag:s21] =	ssyncset.done $0x0  }
0x30: {  	s7 =	smul.u32 $0x3, s7;
	[sflag:s21] =	ssyncadd.s32 $0xFFFFFF00  }
0x31: {  	[tilespmem:s22], [sflag:$0x6] =	stream.indirect.gather [hbm4b:s1+s13], $0x80, s18, s13, $0xb8;
	[tilespmem:$0x1B380] =	vst v63  }
0x32: {  	s7 =	ssub.s32 s23, s7;
	_ =	swait.ge [sflag:s25], $0x2800  }
0x33: {  	s17 =	sadd.s32 $0xFFFFFFC0, s0;
	s7 =	sand.u32 $0xFF, s7;
	[sflag:s25] =	ssyncset.done $0x0  }
0x34: {  	s24 =	smul.u32 $0xA000, s7;
	s10 =	sor.u32 $0x4, s7;
	[sflag:s25] =	ssyncadd.s32 $0xFFFFD800  }
0x35: {  	[tilespmem:s3], [sflag:$0x1] =	stream.linear.gather [hbm4b:s17+s3], $0x100, $0x38;
	[tilespmem:$0x1B380] =	vst v63  }
0x36: {  	s5 =	sadd.s32 $0x2, s5;
	s30 =	sshll.u32 s7, $0x8;
	_ =	swait.ge [sflag:s10], $0x2800  }
0x37: {  	s23 =	sshrl.u32 s24, $0x2;
	s7 =	sadd.s32 $0x7, s7;
	[sflag:s10] =	ssyncset.done $0x0  }
0x38: {  	s23 =	sor.u32 $0x300, s23;
	[sflag:s10] =	ssyncadd.s32 $0xFFFFD800;
	s10 =	sor.u32 $0x80, s30  }
0x39: {  	[spmem:s2] =	stream.indirect.scatter.add.f32 [tilespmem:s23], [sflag:s7], $0x80, s10, s13, $0xb8;
	[tilespmem:$0x1B380] =	vst v63  }
0x3a: {  	s10 =	sand.u32 $0xFF, s5  }
0x3b: {  	s7 =	smul.u32 $0xAB, s10  }
0x3c: {  	_ =	swait.ge [sflag:s12], $0x100  }
0x3d: {  	[sflag:s12] =	ssyncset.done $0x0;
	s7 =	sshrl.u32 s7, $0x9  }
0x3e: {  	[sflag:s12] =	ssyncadd.s32 $0xFFFFFF00;
	s7 =	smul.u32 $0x3, s7  }
0x3f: {  	[tilespmem:s14], [sflag:$0x4] =	stream.indirect.gather [hbm4b:s1+s13], $0x80, s3, s13, $0xb8;
	[tilespmem:$0x1B380] =	vst v63  }
0x40: {  	_ =	swait.ge [sflag:s26], $0x2800  }
0x41: {  	s5 =	ssub.s32 s5, s7;
	[sflag:s26] =	ssyncset.done $0x0  }
0x42: {  	s17 =	sadd.s32 $0xFFFFFFE0, s0;
	s5 =	sand.u32 $0xFF, s5;
	[sflag:s26] =	ssyncadd.s32 $0xFFFFD800  }
0x43: {  	[tilespmem:s11], [sflag:$0x2] =	stream.linear.gather [hbm4b:s17+s3], $0x100, $0x38;
	[tilespmem:$0x1B380] =	vst v63  }
0x44: {  	s23 =	sor.u32 $0x4, s5;
	s24 =	smul.u32 $0xA000, s5  }
0x45: {  	s30 =	sshll.u32 s5, $0x8;
	_ =	swait.ge [sflag:s23], $0x2800  }
0x46: {  	s5 =	sadd.s32 $0x7, s5;
	[sflag:s23] =	ssyncset.done $0x0;
	s7 =	sshrl.u32 s24, $0x2  }
0x47: {  	s10 =	sor.u32 $0x80, s30;
	[sflag:s23] =	ssyncadd.s32 $0xFFFFD800;
	s7 =	sor.u32 $0x300, s7  }
0x48: {  	[spmem:s2] =	stream.indirect.scatter.add.f32 [tilespmem:s7], [sflag:s5], $0x80, s10, s13, $0xb8;
	[tilespmem:$0x1B380] =	vst v63  }
0x49: {  	_ =	swait.ge [sflag:s15], $0x100  }
0x4a: {  	[sflag:s15] =	ssyncset.done $0x0  }
0x4b: {  	[sflag:s15] =	ssyncadd.s32 $0xFFFFFF00  }
0x4c: {  	[tilespmem:s16], [sflag:$0x5] =	stream.indirect.gather [hbm4b:s1+s13], $0x80, s11, s13, $0xb8;
	[tilespmem:$0x1B380] =	vst v63  }
0x4d: {  	s23 =	smov.u32 s0;
	s5 =	simm.s32 $0x1;
	_ =	swait.ge [sflag:s28], $0x2800  }
.LBB2_2:
0x4e: {  	s7 =	smul.u32 $0x3, s5;
	p1 =	sne.s32 s5, $0x27;
	s5 =	sadd.s32 $0x1, s5  }
0x4f: {  	[sflag:s28] =	ssyncset.done $0x0  }
0x50: {  	s10 =	sadd.s32 $0x1, s7;
	s7 =	sadd.s32 $0x2, s7;
	[sflag:s28] =	ssyncadd.s32 $0xFFFFD800  }
0x51: {  	[tilespmem:s18], [sflag:$0x3] =	stream.linear.gather [hbm4b:s23+s3], $0x100, $0x38;
	[tilespmem:$0x1B380] =	vst v63  }
0x52: {  	s17 =	sand.u32 $0xFF, s10;
	s24 =	sand.u32 $0xFF, s7;
	_ =	swait.ge [sflag:s19], $0x2800  }
0x53: {  	s24 =	smul.u32 $0xAB, s24;
	[sflag:s19] =	ssyncset.done $0x0  }
0x54: {  	s17 =	smul.u32 $0xAB, s17;
	[sflag:s19] =	ssyncadd.s32 $0xFFFFD800  }
0x55: {  	[spmem:s2] =	stream.indirect.scatter.add.f32 [tilespmem:s14], [sflag:$0x7], $0x80, s20, s13, $0xb8;
	[tilespmem:$0x1B380] =	vst v63  }
0x56: {  	s17 =	sshrl.u32 s17, $0x9;
	s24 =	sshrl.u32 s24, $0x9;
	_ =	swait.ge [sflag:s21], $0x100  }
0x57: {  	s23 =	sadd.s32 $0x60, s23;
	s24 =	smul.u32 $0x3, s24;
	[sflag:s21] =	ssyncset.done $0x0  }
0x58: {  	s30 =	sadd.s32 $0xFFFFFFC0, s23;
	s17 =	smul.u32 $0x3, s17;
	[sflag:s21] =	ssyncadd.s32 $0xFFFFFF00  }
0x59: {  	[tilespmem:s22], [sflag:$0x6] =	stream.indirect.gather [hbm4b:s1+s13], $0x80, s18, s13, $0xb8;
	[tilespmem:$0x1B380] =	vst v63  }
0x5a: {  	s10 =	ssub.s32 s10, s17;
	s7 =	ssub.s32 s7, s24;
	_ =	swait.ge [sflag:s25], $0x2800  }
0x5b: {  	s10 =	sand.u32 $0xFF, s10;
	s7 =	sand.u32 $0xFF, s7;
	[sflag:s25] =	ssyncset.done $0x0  }
0x5c: {  	s17 =	smul.u32 $0xA000, s10;
	s24 =	sor.u32 $0x4, s10;
	[sflag:s25] =	ssyncadd.s32 $0xFFFFD800  }
0x5d: {  	[tilespmem:s3], [sflag:$0x1] =	stream.linear.gather [hbm4b:s30+s3], $0x100, $0x38;
	[tilespmem:$0x1B380] =	vst v63  }
0x5e: {  	s17 =	sshrl.u32 s17, $0x2;
	s30 =	sshll.u32 s10, $0x8;
	_ =	swait.ge [sflag:s24], $0x2800  }
0x5f: {  	s10 =	sadd.s32 $0x7, s10;
	s30 =	sor.u32 $0x80, s30;
	[sflag:s24] =	ssyncset.done $0x0  }
0x60: {  	s17 =	sor.u32 $0x300, s17;
	[sflag:s24] =	ssyncadd.s32 $0xFFFFD800;
	s24 =	smul.u32 $0xA000, s7  }
0x61: {  	[spmem:s2] =	stream.indirect.scatter.add.f32 [tilespmem:s17], [sflag:s10], $0x80, s30, s13, $0xb8;
	[tilespmem:$0x1B380] =	vst v63  }
0x62: {  	s17 =	sshll.u32 s7, $0x8;
	_ =	swait.ge [sflag:s12], $0x100;
	s10 =	sshrl.u32 s24, $0x2  }
0x63: {  	[sflag:s12] =	ssyncset.done $0x0  }
0x64: {  	[sflag:s12] =	ssyncadd.s32 $0xFFFFFF00  }
0x65: {  	[tilespmem:s14], [sflag:$0x4] =	stream.indirect.gather [hbm4b:s1+s13], $0x80, s3, s13, $0xb8;
	[tilespmem:$0x1B380] =	vst v63  }
0x66: {  	_ =	swait.ge [sflag:s26], $0x2800  }
0x67: {  	[sflag:s26] =	ssyncset.done $0x0  }
0x68: {  	s30 =	sor.u32 $0x4, s7;
	s24 =	sadd.s32 $0xFFFFFFE0, s23;
	[sflag:s26] =	ssyncadd.s32 $0xFFFFD800  }
0x69: {  	[tilespmem:s11], [sflag:$0x2] =	stream.linear.gather [hbm4b:s24+s3], $0x100, $0x38;
	[tilespmem:$0x1B380] =	vst v63  }
0x6a: {  	_ =	swait.ge [sflag:s30], $0x2800  }
0x6b: {  	s7 =	sadd.s32 $0x7, s7;
	[sflag:s30] =	ssyncset.done $0x0  }
0x6c: {  	s17 =	sor.u32 $0x80, s17;
	s10 =	sor.u32 $0x300, s10;
	[sflag:s30] =	ssyncadd.s32 $0xFFFFD800  }
0x6d: {  	[spmem:s2] =	stream.indirect.scatter.add.f32 [tilespmem:s10], [sflag:s7], $0x80, s17, s13, $0xb8;
	[tilespmem:$0x1B380] =	vst v63  }
.Ltmp0:
0x6e: {  	_ =	swait.ge [sflag:s15], $0x100;
	(pc) =	sbr.rel @p1 .LBB2_2-.Ltmp0, $4  }
0x6f: {  	[sflag:s15] =	ssyncset.done $0x0  }
0x70: {  	[sflag:s15] =	ssyncadd.s32 $0xFFFFFF00  }
0x71: {  	[tilespmem:s16], [sflag:$0x5] =	stream.indirect.gather [hbm4b:s1+s13], $0x80, s11, s13, $0xb8;
	[tilespmem:$0x1B380] =	vst v63  }
0x72: {  	_ =	swait.ge [sflag:s28], $0x2800  }
0x73: {  	[sflag:s28] =	ssyncset.done $0x0  }
0x74: {  	[sflag:s28] =	ssyncadd.s32 $0xFFFFD800  }
0x75: {  	[tilespmem:s18], [sflag:$0x3] =	stream.linear.gather [hbm4b:s23+s3], $0x100, $0x38;
	[tilespmem:$0x1B380] =	vst v63  }
0x76: {  	_ =	swait.ge [sflag:s19], $0x2800  }
0x77: {  	[sflag:s19] =	ssyncset.done $0x0  }
0x78: {  	[sflag:s19] =	ssyncadd.s32 $0xFFFFD800  }
0x79: {  	[spmem:s2] =	stream.indirect.scatter.add.f32 [tilespmem:s14], [sflag:$0x7], $0x80, s20, s13, $0xb8;
	[tilespmem:$0x1B380] =	vst v63  }
0x7a: {  	_ =	swait.ge [sflag:s21], $0x100  }
0x7b: {  	[sflag:s21] =	ssyncset.done $0x0  }
0x7c: {  	[sflag:s21] =	ssyncadd.s32 $0xFFFFFF00  }
0x7d: {  	[tilespmem:s22], [sflag:$0x6] =	stream.indirect.gather [hbm4b:s1+s13], $0x80, s18, s13, $0xb8;
	[tilespmem:$0x1B380] =	vst v63  }
0x7e: {  	_ =	swait.ge [sflag:s25], $0x2800  }
0x7f: {  	[sflag:s25] =	ssyncset.done $0x0  }
0x80: {  	s5 =	sadd.s32 $0xF60, s6;
	[sflag:s25] =	ssyncadd.s32 $0xFFFFD800  }
0x81: {  	[tilespmem:s3], [sflag:$0x1] =	stream.linear.gather [hbm4b:s5+s3], $0x100, $0x38;
	[tilespmem:$0x1B380] =	vst v63  }
0x82: {  	_ =	swait.ge [sflag:s29], $0x2800  }
0x83: {  	[sflag:s29] =	ssyncset.done $0x0  }
0x84: {  	s7 =	simm.s32 $0x180;
	[sflag:s29] =	ssyncadd.s32 $0xFFFFD800  }
0x85: {  	[spmem:s2] =	stream.indirect.scatter.add.f32 [tilespmem:s16], [sflag:$0x8], $0x80, s7, s13, $0xb8;
	[tilespmem:$0x1B380] =	vst v63  }
0x86: {  	_ =	swait.ge [sflag:s12], $0x100  }
0x87: {  	[sflag:s12] =	ssyncset.done $0x0  }
0x88: {  	[sflag:s12] =	ssyncadd.s32 $0xFFFFFF00  }
0x89: {  	[tilespmem:s14], [sflag:$0x4] =	stream.indirect.gather [hbm4b:s1+s13], $0x80, s3, s13, $0xb8;
	[tilespmem:$0x1B380] =	vst v63  }
0x8a: {  	_ =	swait.ge [sflag:s26], $0x2800  }
0x8b: {  	[sflag:s26] =	ssyncset.done $0x0  }
0x8c: {  	s23 =	sadd.s32 $0xF80, s6;
	[sflag:s26] =	ssyncadd.s32 $0xFFFFD800  }
0x8d: {  	[tilespmem:s11], [sflag:$0x2] =	stream.linear.gather [hbm4b:s23+s3], $0x100, $0x38;
	[tilespmem:$0x1B380] =	vst v63  }
0x8e: {  	_ =	swait.ge [sflag:s31], $0x2800  }
0x8f: {  	[sflag:s31] =	ssyncset.done $0x0  }
0x90: {  	s24 =	simm.s32 $0x280;
	[sflag:s31] =	ssyncadd.s32 $0xFFFFD800  }
0x91: {  	[spmem:s2] =	stream.indirect.scatter.add.f32 [tilespmem:s22], [sflag:$0x9], $0x80, s24, s13, $0xb8;
	[tilespmem:$0x1B380] =	vst v63  }
0x92: {  	_ =	swait.ge [sflag:s15], $0x100  }
0x93: {  	[sflag:s15] =	ssyncset.done $0x0  }
0x94: {  	[sflag:s15] =	ssyncadd.s32 $0xFFFFFF00  }
0x95: {  	[tilespmem:s16], [sflag:$0x5] =	stream.indirect.gather [hbm4b:s1+s13], $0x80, s11, s13, $0xb8;
	[tilespmem:$0x1B380] =	vst v63  }
0x96: {  	_ =	swait.ge [sflag:s28], $0x2800  }
0x97: {  	[sflag:s28] =	ssyncset.done $0x0  }
0x98: {  	[sflag:s28] =	ssyncadd.s32 $0xFFFFD800  }
0x99: {  	_ =	swait.ge [sflag:s19], $0x2800  }
0x9a: {  	[sflag:s19] =	ssyncset.done $0x0  }
0x9b: {  	[sflag:s19] =	ssyncadd.s32 $0xFFFFD800  }
0x9c: {  	[spmem:s2] =	stream.indirect.scatter.add.f32 [tilespmem:s14], [sflag:$0x7], $0x80, s20, s13, $0xb8;
	[tilespmem:$0x1B380] =	vst v63  }
0x9d: {  	_ =	swait.ge [sflag:s25], $0x2800  }
0x9e: {  	[sflag:s25] =	ssyncset.done $0x0  }
0x9f: {  	[sflag:s25] =	ssyncadd.s32 $0xFFFFD800  }
0xa0: {  	_ =	swait.ge [sflag:s29], $0x2800  }
0xa1: {  	[sflag:s29] =	ssyncset.done $0x0  }
0xa2: {  	[sflag:s29] =	ssyncadd.s32 $0xFFFFD800  }
0xa3: {  	[spmem:s2] =	stream.indirect.scatter.add.f32 [tilespmem:s16], [sflag:$0x8], $0x80, s7, s13, $0xb8;
	[tilespmem:$0x1B380] =	vst v63  }
0xa4: {  	_ =	swait.ge [sflag:s26], $0x2800  }
0xa5: {  	[sflag:s26] =	ssyncset.done $0x0  }
0xa6: {  	[sflag:s26] =	ssyncadd.s32 $0xFFFFD800  }
0xa7: {  	[bflag:$0x0] =	sbarrier.arrive $0xFFFF  }
0xa8: {  	s5 =	rddreg [dreg:$0x9]  }
0xa9: {  	[hbm:s5], [sflag:s8] =	dma.local @!p0 [spmem:s9], $0x3E80  }
0xaa: {  	s5 =	simm.s32 @!p0 $0xA  }
0xab: {  	_ =	swait.ge @!p0 [sflag:s5], $0x3E80  }
0xac: {  	s4 =	sadd.s32 $0x1, s4;
	s30 =	rddreg [dreg:$0x6]  }
0xad: {  	p1 =	sne.s32 s4, s30  }
.Ltmp1:
0xae: {  	_ = 	snop;
	(pc) =	sbr.rel @p1 .LBB2_1-.Ltmp1, $3  }
0xaf: {  	_ =	sdelay $0x1  }
0xb0: {  	[sflag:s5] =	ssyncset.done @!p0 $0x0  }
0xb1: {  	[sflag:s5] =	ssyncadd.s32 @!p0 $0xFFFFC180  }
0xb2: {  	_ =	sfence.sel $0x180000  }
0xb3: {  	[bflag:$0x0] =	sbarrier.arrive $0xFFFF  }
0xb4: {  	_ =	strace $0x90000047  }
0xb5: {  	s0 =	stileid.u32;
	[bflag:$0x2] =	sbarrier.arrive $0xFFFF  }
0xb6: {  	p0 =	sne.s32 s0, $0x0;
	s0 =	rddreg [dreg:$0x4]  }
0xb7: {  	s0 =	sadd.s32 @!p0 $0x100000, s0  }
0xb8: {  	[sflag:s0] =	ssyncadd.tile.s32 @!p0 $0x1;
	_ =	shalt  }
.Lfunc_end2:
_tile_overlayer_lowered:
.L_overlay_start_2:
0xb9: {  	(tag) =	ssettag $0x2  }
0xba: {  	s0 =	rddreg [dreg:$0x0];
	s2 =	stileid.u32  }
0xbb: {  	s1 =	rddreg [dreg:$0x1];
	p0 =	sne.s32 s2, $0x0  }
0xbc: {  	s3 =	rddreg [dreg:$0x2];
	[bflag:$0x3] =	sbarrier.arrive $0xFFFF;
	s2 =	simm.s32 @!p0 $0x1C0B  }
0xbd: {  	[timem:s3], [sflag:s2] =	dma.local @!p0 [hbm:s0], s1  }
0xbe: {  	s0 =	simm.s32 @!p0 $0xB  }
0xbf: {  	_ =	swait.ge @!p0 [sflag:s0], s1  }
0xc0: {  	s1 =	ssub.s32 @!p0 $0x0, s1;
	[sflag:s0] =	ssyncset.done @!p0 $0x0  }
0xc1: {  	[sflag:s0] =	ssyncadd.s32 @!p0 s1  }
0xc2: {  	[bflag:$0x3] =	sbarrier.arrive $0xFFFF  }
0xc3: {  	_ =	shalt  }

</sc_bundles>
